<compile_context>
chip_gen: v7x
topology: tpu7x:2x2x1
jax: 0.10.2.dev20260603
libtpu: 0.0.44.dev20260713+nightly
codegen_flags: <defaults>
</compile_context>

<pallas_src>
import functools

import jax
import jax.numpy as jnp
from jax import lax
from jax.experimental import pallas as pl
from jax.experimental.pallas import tpu as pltpu
from jax.experimental.pallas import tpu_sc as plsc

_B = 16384
_F = 26
_EMB = 16
_NW = 32
_SPW = _B // _NW
_C = 64
_NCHUNK = _SPW // _C
_LPC = _C * _F
_NSLICE = _LPC // 128


def _fm_sc_body(idx_hbm, w1_hbm, v_hbm, out_hbm,
                idx_v, rows_v, w1_v, outv_v, sem_v, sem_w):
    wid = lax.axis_index("s") * 2 + lax.axis_index("c")
    lane = lax.broadcasted_iota(jnp.int32, (16,), 0)
    tail_mask = lane < (_F - 16)

    def chunk_body(g, carry):
        base = wid * _SPW + g * _C
        pltpu.sync_copy(idx_hbm.at[pl.ds(base * _F, _LPC)], idx_v)
        copies = []
        for j in range(_NSLICE):
            sl = pl.ds(j * 128, 128)
            copies.append(pltpu.async_copy(v_hbm.at[idx_v.at[sl]],
                                           rows_v.at[sl], sem_v))
            copies.append(pltpu.async_copy(w1_hbm.at[idx_v.at[sl]],
                                           w1_v.at[sl], sem_w))
        for c in copies:
            c.wait()

        def samp_body(i, carry2):
            r0 = i * _F
            x = rows_v[r0, :]
            s = x
            sq = x * x
            for f in range(1, _F):
                x = rows_v[r0 + f, :]
                s = s + x
                sq = sq + x * x
            v1 = w1_v[pl.ds(r0, 16)]
            v2 = jnp.where(tail_mask, w1_v[pl.ds(r0 + 16, 16)], 0.0)
            outv_v[pl.ds(i * _EMB, _EMB)] = (s * s - sq) * 0.5 + v1 + v2
            return carry2

        lax.fori_loop(0, _C, samp_body, 0)
        pltpu.sync_copy(outv_v, out_hbm.at[pl.ds(base * _EMB, _C * _EMB)])
        return carry

    lax.fori_loop(0, _NCHUNK, chunk_body, 0)


def _fm_tc_body(x_ref, w0_ref, o_ref):
    sel = (lax.broadcasted_iota(jnp.int32, (128, 8), 0) // _EMB
           == lax.broadcasted_iota(jnp.int32, (128, 8), 1))
    o_ref[...] = (jnp.dot(x_ref[...], sel.astype(jnp.float32),
                          preferred_element_type=jnp.float32)
                  + w0_ref[0:1, 0:1])


@jax.jit
def _fm(idx_flat, w0_2d, w1_flat, v):
    mesh = plsc.VectorSubcoreMesh(core_axis_name="c", subcore_axis_name="s")
    run = functools.partial(
        pl.kernel,
        out_type=jax.ShapeDtypeStruct((_B * _EMB,), jnp.float32),
        mesh=mesh,
        compiler_params=pltpu.CompilerParams(use_tc_tiling_on_sc=False),
        scratch_types=[
            pltpu.VMEM((_LPC,), jnp.int32),
            pltpu.VMEM((_LPC, _EMB), jnp.float32),
            pltpu.VMEM((_LPC + 16,), jnp.float32),
            pltpu.VMEM((_C * _EMB,), jnp.float32),
            pltpu.SemaphoreType.DMA,
            pltpu.SemaphoreType.DMA,
        ],
    )(_fm_sc_body)
    partial_flat = run(idx_flat, w1_flat, v)
    partial = partial_flat.reshape(_B * _EMB // 128, 128)
    out = pl.pallas_call(
        _fm_tc_body,
        out_shape=jax.ShapeDtypeStruct((_B * _EMB // 128, 8), jnp.float32),
    )(partial, w0_2d)
    return out.reshape(_B, 1)


def kernel(input, W0, W1, V):
    idx_flat = input.reshape(-1).astype(jnp.int32)
    w0_2d = W0.astype(jnp.float32).reshape(1, 1)
    w1_flat = W1.reshape(-1)
    return _fm(idx_flat, w0_2d, w1_flat, V)

# --- scband reference (transcript-rebuilt; emitter-appended) ---
"""Pipeline reference for scband-fm-52450140619311 (READ-ONLY COPY).

The authoritative reference and input builder live on the scoring server;
editing this copy changes nothing except your own understanding.
"""

import jax, jax.numpy as jnp
import numpy as np

VOCAB = 1000000
EMB = 16
B = 16384
F = 26


def setup_inputs(seed: int = 0) -> dict:
    key = jax.random.key(seed)
    k1, k2, k3, k4 = jax.random.split(key, 4)
    input_ids = jax.random.randint(k1, (B, F), 0, VOCAB)
    W0 = jax.random.normal(k2, (1,), dtype=jnp.float32)
    W1 = jax.random.normal(k3, (VOCAB, 1), dtype=jnp.float32) * 0.01
    V = jax.random.normal(k4, (VOCAB, EMB), dtype=jnp.float32) * 0.01
    return {"input": input_ids, "W0": W0, "W1": W1, "V": V}


def reference(input, W0, W1, V):
    # linear part: W1 embedding lookup, sum over fields, plus global bias W0
    linear_part = jnp.take(W1, input, axis=0).sum(axis=-2) + W0  # [B, 1]
    # interaction part via FM identity
    x = jnp.take(V, input, axis=0)  # [B, F, EMB]
    interaction_part_1 = jnp.square(x.sum(axis=-2))  # [B, EMB]
    interaction_part_2 = jnp.square(x).sum(axis=-2)  # [B, EMB]
    product_part = interaction_part_1 - interaction_part_2
    # point_wise=True -> reduce over embedding dim
    product_part = product_part.sum(axis=-1, keepdims=True)  # [B, 1]
    output = linear_part + 0.5 * product_part
    return output

if __name__ == "__main__":
    import jax
    _d = setup_inputs()
    print(jax.jit(kernel)(*tuple(_d.values())))

</pallas_src>

<mosaic_0001>
#map = affine_map<(d0, d1) -> (0)>
#map1 = affine_map<(d0, d1) -> (0, 0)>
module attributes {stable_mosaic.version = 14 : i64} {
  func.func @_fm_sc_body(%arg0: i32, %arg1: i32, %arg2: memref<425984xi32, #tpu.memory_space<hbm>>, %arg3: memref<1000000xf32, #tpu.memory_space<hbm>>, %arg4: memref<1000000x16xf32, #tpu.memory_space<hbm>>, %arg5: memref<262144xf32, #tpu.memory_space<hbm>>, %arg6: memref<1664xi32, #tpu.memory_space<vmem>>, %arg7: memref<1664x16xf32, #tpu.memory_space<vmem>>, %arg8: memref<1680xf32, #tpu.memory_space<vmem>>, %arg9: memref<1024xf32, #tpu.memory_space<vmem>>, %arg10: memref<!tpu.dma_semaphore, #tpu.memory_space<semaphore_mem>>, %arg11: memref<!tpu.dma_semaphore, #tpu.memory_space<semaphore_mem>>) attributes {dimension_semantics = [#tpu.dimension_semantics<core_parallel>, #tpu.dimension_semantics<subcore_parallel>], iteration_bounds = array<i64: 2, 16>, scalar_prefetch = 0 : i64, scratch_operands = 6 : i64, tpu.core_type = #tpu.core_type<sc_vector_subcore>, window_params = [{transform_indices = #map}, {transform_indices = #map}, {transform_indices = #map1}, {transform_indices = #map}]} {
    %mul3A = arith.constant 2 : i32
    %mul3A_0 = arith.muli %arg1, %mul3A : i32
    %add3A = arith.addi %mul3A_0, %arg0 : i32
    %iota3A = tpu.iota {dimensions = array<i32: 0>} : vector<16xi32>
    %lt3A = arith.constant 10 : i32
    %lt3A_1 = vector.broadcast %lt3A : i32 to vector<16xi32>
    %lt3A_2 = arith.cmpi slt, %iota3A, %lt3A_1 : vector<16xi32>
    %scan3A = arith.constant 0 : i32
    %scan3A_3 = arith.constant 0 : i32
    %scan3A_4 = arith.constant 8 : i32
    %scan3A_5 = arith.addi %scan3A_3, %scan3A_4 : i32
    %scan3A_6 = arith.constant 1 : i32
    scf.for %scan3A_8 = %scan3A_3 to %scan3A_5 step %scan3A_6  : i32 {
      %mul3A_9 = arith.constant 512 : i32
      %mul3A_10 = arith.muli %add3A, %mul3A_9 : i32
      %mul3A_11 = arith.constant 64 : i32
      %mul3A_12 = arith.muli %scan3A_8, %mul3A_11 : i32
      %add3A_13 = arith.addi %mul3A_10, %mul3A_12 : i32
      %mul3A_14 = arith.constant 26 : i32
      %mul3A_15 = arith.muli %add3A_13, %mul3A_14 : i32
      "tpu.region"() ({
        %run_scoped3A = tpu.sem_alloc : memref<!tpu.dma_semaphore, #tpu.memory_space<semaphore_mem>>
        %dma_start3A_386 = tpu.memref_slice %arg2[%mul3A_15] : memref<425984xi32, #tpu.memory_space<hbm>> -> memref<1664xi32, #tpu.memory_space<hbm>>
        %dma_start3A_387 = tpu.memref_slice %arg2[%mul3A_15] : memref<425984xi32, #tpu.memory_space<hbm>> -> memref<1664xi32, #tpu.memory_space<hbm>>
        tpu.enqueue_dma source(%dma_start3A_387 : memref<1664xi32, #tpu.memory_space<hbm>>) target(%arg6 : memref<1664xi32, #tpu.memory_space<vmem>>) target_semaphore(%run_scoped3A : memref<!tpu.dma_semaphore, #tpu.memory_space<semaphore_mem>>)
        %dma_wait3A_388 = tpu.memref_slice %arg2[%mul3A_15] : memref<425984xi32, #tpu.memory_space<hbm>> -> memref<1664xi32, #tpu.memory_space<hbm>>
        %dma_wait3A_389 = tpu.memref_slice %arg2[%mul3A_15] : memref<425984xi32, #tpu.memory_space<hbm>> -> memref<1664xi32, #tpu.memory_space<hbm>>
        tpu.wait_dma2 semaphore(%run_scoped3A : memref<!tpu.dma_semaphore, #tpu.memory_space<semaphore_mem>>) src(%dma_wait3A_389 : memref<1664xi32, #tpu.memory_space<hbm>>) dst(%arg6 : memref<1664xi32, #tpu.memory_space<vmem>>)
        tpu.yield
      }) : () -> ()
      %dma_start3A = arith.constant 0 : i32
      %dma_start3A_16 = arith.constant 0 : i32
      %dma_start3A_17 = tpu.memref_slice %arg7[%dma_start3A, %dma_start3A_16] : memref<1664x16xf32, #tpu.memory_space<vmem>> -> memref<128x16xf32, #tpu.memory_space<vmem>>
      %dma_start3A_18 = arith.constant 0 : i32
      %dma_start3A_19 = tpu.memref_slice %arg6[%dma_start3A_18] : memref<1664xi32, #tpu.memory_space<vmem>> -> memref<128xi32, #tpu.memory_space<vmem>>
      %dma_start3A_20 = arith.constant 0 : i32
      %dma_start3A_21 = arith.constant 0 : i32
      %dma_start3A_22 = tpu.memref_slice %arg4[%dma_start3A_20, %dma_start3A_21] : memref<1000000x16xf32, #tpu.memory_space<hbm>> -> memref<1000000x16xf32, #tpu.memory_space<hbm>>
      tpu.enqueue_indirect_dma source(%dma_start3A_22 : memref<1000000x16xf32, #tpu.memory_space<hbm>>) target(%dma_start3A_17 : memref<128x16xf32, #tpu.memory_space<vmem>>) offsets(%dma_start3A_19 : memref<128xi32, #tpu.memory_space<vmem>>) semaphore(%arg10 : memref<!tpu.dma_semaphore, #tpu.memory_space<semaphore_mem>>)
      %dma_start3A_23 = arith.constant 0 : i32
      %dma_start3A_24 = tpu.memref_slice %arg8[%dma_start3A_23] : memref<1680xf32, #tpu.memory_space<vmem>> -> memref<128xf32, #tpu.memory_space<vmem>>
      %dma_start3A_25 = arith.constant 0 : i32
      %dma_start3A_26 = tpu.memref_slice %arg6[%dma_start3A_25] : memref<1664xi32, #tpu.memory_space<vmem>> -> memref<128xi32, #tpu.memory_space<vmem>>
      %dma_start3A_27 = arith.constant 0 : i32
      %dma_start3A_28 = tpu.memref_slice %arg3[%dma_start3A_27] : memref<1000000xf32, #tpu.memory_space<hbm>> -> memref<1000000xf32, #tpu.memory_space<hbm>>
      tpu.enqueue_indirect_dma source(%dma_start3A_28 : memref<1000000xf32, #tpu.memory_space<hbm>>) target(%dma_start3A_24 : memref<128xf32, #tpu.memory_space<vmem>>) offsets(%dma_start3A_26 : memref<128xi32, #tpu.memory_space<vmem>>) semaphore(%arg11 : memref<!tpu.dma_semaphore, #tpu.memory_space<semaphore_mem>>)
      %dma_start3A_29 = arith.constant 128 : i32
      %dma_start3A_30 = arith.constant 0 : i32
      %dma_start3A_31 = tpu.memref_slice %arg7[%dma_start3A_29, %dma_start3A_30] : memref<1664x16xf32, #tpu.memory_space<vmem>> -> memref<128x16xf32, #tpu.memory_space<vmem>>
      %dma_start3A_32 = arith.constant 128 : i32
      %dma_start3A_33 = tpu.memref_slice %arg6[%dma_start3A_32] : memref<1664xi32, #tpu.memory_space<vmem>> -> memref<128xi32, #tpu.memory_space<vmem>>
      %dma_start3A_34 = arith.constant 0 : i32
      %dma_start3A_35 = arith.constant 0 : i32
      %dma_start3A_36 = tpu.memref_slice %arg4[%dma_start3A_34, %dma_start3A_35] : memref<1000000x16xf32, #tpu.memory_space<hbm>> -> memref<1000000x16xf32, #tpu.memory_space<hbm>>
      tpu.enqueue_indirect_dma source(%dma_start3A_36 : memref<1000000x16xf32, #tpu.memory_space<hbm>>) target(%dma_start3A_31 : memref<128x16xf32, #tpu.memory_space<vmem>>) offsets(%dma_start3A_33 : memref<128xi32, #tpu.memory_space<vmem>>) semaphore(%arg10 : memref<!tpu.dma_semaphore, #tpu.memory_space<semaphore_mem>>)
      %dma_start3A_37 = arith.constant 128 : i32
      %dma_start3A_38 = tpu.memref_slice %arg8[%dma_start3A_37] : memref<1680xf32, #tpu.memory_space<vmem>> -> memref<128xf32, #tpu.memory_space<vmem>>
      %dma_start3A_39 = arith.constant 128 : i32
      %dma_start3A_40 = tpu.memref_slice %arg6[%dma_start3A_39] : memref<1664xi32, #tpu.memory_space<vmem>> -> memref<128xi32, #tpu.memory_space<vmem>>
      %dma_start3A_41 = arith.constant 0 : i32
      %dma_start3A_42 = tpu.memref_slice %arg3[%dma_start3A_41] : memref<1000000xf32, #tpu.memory_space<hbm>> -> memref<1000000xf32, #tpu.memory_space<hbm>>
      tpu.enqueue_indirect_dma source(%dma_start3A_42 : memref<1000000xf32, #tpu.memory_space<hbm>>) target(%dma_start3A_38 : memref<128xf32, #tpu.memory_space<vmem>>) offsets(%dma_start3A_40 : memref<128xi32, #tpu.memory_space<vmem>>) semaphore(%arg11 : memref<!tpu.dma_semaphore, #tpu.memory_space<semaphore_mem>>)
      %dma_start3A_43 = arith.constant 256 : i32
      %dma_start3A_44 = arith.constant 0 : i32
      %dma_start3A_45 = tpu.memref_slice %arg7[%dma_start3A_43, %dma_start3A_44] : memref<1664x16xf32, #tpu.memory_space<vmem>> -> memref<128x16xf32, #tpu.memory_space<vmem>>
      %dma_start3A_46 = arith.constant 256 : i32
      %dma_start3A_47 = tpu.memref_slice %arg6[%dma_start3A_46] : memref<1664xi32, #tpu.memory_space<vmem>> -> memref<128xi32, #tpu.memory_space<vmem>>
      %dma_start3A_48 = arith.constant 0 : i32
      %dma_start3A_49 = arith.constant 0 : i32
      %dma_start3A_50 = tpu.memref_slice %arg4[%dma_start3A_48, %dma_start3A_49] : memref<1000000x16xf32, #tpu.memory_space<hbm>> -> memref<1000000x16xf32, #tpu.memory_space<hbm>>
      tpu.enqueue_indirect_dma source(%dma_start3A_50 : memref<1000000x16xf32, #tpu.memory_space<hbm>>) target(%dma_start3A_45 : memref<128x16xf32, #tpu.memory_space<vmem>>) offsets(%dma_start3A_47 : memref<128xi32, #tpu.memory_space<vmem>>) semaphore(%arg10 : memref<!tpu.dma_semaphore, #tpu.memory_space<semaphore_mem>>)
      %dma_start3A_51 = arith.constant 256 : i32
      %dma_start3A_52 = tpu.memref_slice %arg8[%dma_start3A_51] : memref<1680xf32, #tpu.memory_space<vmem>> -> memref<128xf32, #tpu.memory_space<vmem>>
      %dma_start3A_53 = arith.constant 256 : i32
      %dma_start3A_54 = tpu.memref_slice %arg6[%dma_start3A_53] : memref<1664xi32, #tpu.memory_space<vmem>> -> memref<128xi32, #tpu.memory_space<vmem>>
      %dma_start3A_55 = arith.constant 0 : i32
      %dma_start3A_56 = tpu.memref_slice %arg3[%dma_start3A_55] : memref<1000000xf32, #tpu.memory_space<hbm>> -> memref<1000000xf32, #tpu.memory_space<hbm>>
      tpu.enqueue_indirect_dma source(%dma_start3A_56 : memref<1000000xf32, #tpu.memory_space<hbm>>) target(%dma_start3A_52 : memref<128xf32, #tpu.memory_space<vmem>>) offsets(%dma_start3A_54 : memref<128xi32, #tpu.memory_space<vmem>>) semaphore(%arg11 : memref<!tpu.dma_semaphore, #tpu.memory_space<semaphore_mem>>)
      %dma_start3A_57 = arith.constant 384 : i32
      %dma_start3A_58 = arith.constant 0 : i32
      %dma_start3A_59 = tpu.memref_slice %arg7[%dma_start3A_57, %dma_start3A_58] : memref<1664x16xf32, #tpu.memory_space<vmem>> -> memref<128x16xf32, #tpu.memory_space<vmem>>
      %dma_start3A_60 = arith.constant 384 : i32
      %dma_start3A_61 = tpu.memref_slice %arg6[%dma_start3A_60] : memref<1664xi32, #tpu.memory_space<vmem>> -> memref<128xi32, #tpu.memory_space<vmem>>
      %dma_start3A_62 = arith.constant 0 : i32
      %dma_start3A_63 = arith.constant 0 : i32
      %dma_start3A_64 = tpu.memref_slice %arg4[%dma_start3A_62, %dma_start3A_63] : memref<1000000x16xf32, #tpu.memory_space<hbm>> -> memref<1000000x16xf32, #tpu.memory_space<hbm>>
      tpu.enqueue_indirect_dma source(%dma_start3A_64 : memref<1000000x16xf32, #tpu.memory_space<hbm>>) target(%dma_start3A_59 : memref<128x16xf32, #tpu.memory_space<vmem>>) offsets(%dma_start3A_61 : memref<128xi32, #tpu.memory_space<vmem>>) semaphore(%arg10 : memref<!tpu.dma_semaphore, #tpu.memory_space<semaphore_mem>>)
      %dma_start3A_65 = arith.constant 384 : i32
      %dma_start3A_66 = tpu.memref_slice %arg8[%dma_start3A_65] : memref<1680xf32, #tpu.memory_space<vmem>> -> memref<128xf32, #tpu.memory_space<vmem>>
      %dma_start3A_67 = arith.constant 384 : i32
      %dma_start3A_68 = tpu.memref_slice %arg6[%dma_start3A_67] : memref<1664xi32, #tpu.memory_space<vmem>> -> memref<128xi32, #tpu.memory_space<vmem>>
      %dma_start3A_69 = arith.constant 0 : i32
      %dma_start3A_70 = tpu.memref_slice %arg3[%dma_start3A_69] : memref<1000000xf32, #tpu.memory_space<hbm>> -> memref<1000000xf32, #tpu.memory_space<hbm>>
      tpu.enqueue_indirect_dma source(%dma_start3A_70 : memref<1000000xf32, #tpu.memory_space<hbm>>) target(%dma_start3A_66 : memref<128xf32, #tpu.memory_space<vmem>>) offsets(%dma_start3A_68 : memref<128xi32, #tpu.memory_space<vmem>>) semaphore(%arg11 : memref<!tpu.dma_semaphore, #tpu.memory_space<semaphore_mem>>)
      %dma_start3A_71 = arith.constant 512 : i32
      %dma_start3A_72 = arith.constant 0 : i32
      %dma_start3A_73 = tpu.memref_slice %arg7[%dma_start3A_71, %dma_start3A_72] : memref<1664x16xf32, #tpu.memory_space<vmem>> -> memref<128x16xf32, #tpu.memory_space<vmem>>
      %dma_start3A_74 = arith.constant 512 : i32
      %dma_start3A_75 = tpu.memref_slice %arg6[%dma_start3A_74] : memref<1664xi32, #tpu.memory_space<vmem>> -> memref<128xi32, #tpu.memory_space<vmem>>
      %dma_start3A_76 = arith.constant 0 : i32
      %dma_start3A_77 = arith.constant 0 : i32
      %dma_start3A_78 = tpu.memref_slice %arg4[%dma_start3A_76, %dma_start3A_77] : memref<1000000x16xf32, #tpu.memory_space<hbm>> -> memref<1000000x16xf32, #tpu.memory_space<hbm>>
      tpu.enqueue_indirect_dma source(%dma_start3A_78 : memref<1000000x16xf32, #tpu.memory_space<hbm>>) target(%dma_start3A_73 : memref<128x16xf32, #tpu.memory_space<vmem>>) offsets(%dma_start3A_75 : memref<128xi32, #tpu.memory_space<vmem>>) semaphore(%arg10 : memref<!tpu.dma_semaphore, #tpu.memory_space<semaphore_mem>>)
      %dma_start3A_79 = arith.constant 512 : i32
      %dma_start3A_80 = tpu.memref_slice %arg8[%dma_start3A_79] : memref<1680xf32, #tpu.memory_space<vmem>> -> memref<128xf32, #tpu.memory_space<vmem>>
      %dma_start3A_81 = arith.constant 512 : i32
      %dma_start3A_82 = tpu.memref_slice %arg6[%dma_start3A_81] : memref<1664xi32, #tpu.memory_space<vmem>> -> memref<128xi32, #tpu.memory_space<vmem>>
      %dma_start3A_83 = arith.constant 0 : i32
      %dma_start3A_84 = tpu.memref_slice %arg3[%dma_start3A_83] : memref<1000000xf32, #tpu.memory_space<hbm>> -> memref<1000000xf32, #tpu.memory_space<hbm>>
      tpu.enqueue_indirect_dma source(%dma_start3A_84 : memref<1000000xf32, #tpu.memory_space<hbm>>) target(%dma_start3A_80 : memref<128xf32, #tpu.memory_space<vmem>>) offsets(%dma_start3A_82 : memref<128xi32, #tpu.memory_space<vmem>>) semaphore(%arg11 : memref<!tpu.dma_semaphore, #tpu.memory_space<semaphore_mem>>)
      %dma_start3A_85 = arith.constant 640 : i32
      %dma_start3A_86 = arith.constant 0 : i32
      %dma_start3A_87 = tpu.memref_slice %arg7[%dma_start3A_85, %dma_start3A_86] : memref<1664x16xf32, #tpu.memory_space<vmem>> -> memref<128x16xf32, #tpu.memory_space<vmem>>
      %dma_start3A_88 = arith.constant 640 : i32
      %dma_start3A_89 = tpu.memref_slice %arg6[%dma_start3A_88] : memref<1664xi32, #tpu.memory_space<vmem>> -> memref<128xi32, #tpu.memory_space<vmem>>
      %dma_start3A_90 = arith.constant 0 : i32
      %dma_start3A_91 = arith.constant 0 : i32
      %dma_start3A_92 = tpu.memref_slice %arg4[%dma_start3A_90, %dma_start3A_91] : memref<1000000x16xf32, #tpu.memory_space<hbm>> -> memref<1000000x16xf32, #tpu.memory_space<hbm>>
      tpu.enqueue_indirect_dma source(%dma_start3A_92 : memref<1000000x16xf32, #tpu.memory_space<hbm>>) target(%dma_start3A_87 : memref<128x16xf32, #tpu.memory_space<vmem>>) offsets(%dma_start3A_89 : memref<128xi32, #tpu.memory_space<vmem>>) semaphore(%arg10 : memref<!tpu.dma_semaphore, #tpu.memory_space<semaphore_mem>>)
      %dma_start3A_93 = arith.constant 640 : i32
      %dma_start3A_94 = tpu.memref_slice %arg8[%dma_start3A_93] : memref<1680xf32, #tpu.memory_space<vmem>> -> memref<128xf32, #tpu.memory_space<vmem>>
      %dma_start3A_95 = arith.constant 640 : i32
      %dma_start3A_96 = tpu.memref_slice %arg6[%dma_start3A_95] : memref<1664xi32, #tpu.memory_space<vmem>> -> memref<128xi32, #tpu.memory_space<vmem>>
      %dma_start3A_97 = arith.constant 0 : i32
      %dma_start3A_98 = tpu.memref_slice %arg3[%dma_start3A_97] : memref<1000000xf32, #tpu.memory_space<hbm>> -> memref<1000000xf32, #tpu.memory_space<hbm>>
      tpu.enqueue_indirect_dma source(%dma_start3A_98 : memref<1000000xf32, #tpu.memory_space<hbm>>) target(%dma_start3A_94 : memref<128xf32, #tpu.memory_space<vmem>>) offsets(%dma_start3A_96 : memref<128xi32, #tpu.memory_space<vmem>>) semaphore(%arg11 : memref<!tpu.dma_semaphore, #tpu.memory_space<semaphore_mem>>)
      %dma_start3A_99 = arith.constant 768 : i32
      %dma_start3A_100 = arith.constant 0 : i32
      %dma_start3A_101 = tpu.memref_slice %arg7[%dma_start3A_99, %dma_start3A_100] : memref<1664x16xf32, #tpu.memory_space<vmem>> -> memref<128x16xf32, #tpu.memory_space<vmem>>
      %dma_start3A_102 = arith.constant 768 : i32
      %dma_start3A_103 = tpu.memref_slice %arg6[%dma_start3A_102] : memref<1664xi32, #tpu.memory_space<vmem>> -> memref<128xi32, #tpu.memory_space<vmem>>
      %dma_start3A_104 = arith.constant 0 : i32
      %dma_start3A_105 = arith.constant 0 : i32
      %dma_start3A_106 = tpu.memref_slice %arg4[%dma_start3A_104, %dma_start3A_105] : memref<1000000x16xf32, #tpu.memory_space<hbm>> -> memref<1000000x16xf32, #tpu.memory_space<hbm>>
      tpu.enqueue_indirect_dma source(%dma_start3A_106 : memref<1000000x16xf32, #tpu.memory_space<hbm>>) target(%dma_start3A_101 : memref<128x16xf32, #tpu.memory_space<vmem>>) offsets(%dma_start3A_103 : memref<128xi32, #tpu.memory_space<vmem>>) semaphore(%arg10 : memref<!tpu.dma_semaphore, #tpu.memory_space<semaphore_mem>>)
      %dma_start3A_107 = arith.constant 768 : i32
      %dma_start3A_108 = tpu.memref_slice %arg8[%dma_start3A_107] : memref<1680xf32, #tpu.memory_space<vmem>> -> memref<128xf32, #tpu.memory_space<vmem>>
      %dma_start3A_109 = arith.constant 768 : i32
      %dma_start3A_110 = tpu.memref_slice %arg6[%dma_start3A_109] : memref<1664xi32, #tpu.memory_space<vmem>> -> memref<128xi32, #tpu.memory_space<vmem>>
      %dma_start3A_111 = arith.constant 0 : i32
      %dma_start3A_112 = tpu.memref_slice %arg3[%dma_start3A_111] : memref<1000000xf32, #tpu.memory_space<hbm>> -> memref<1000000xf32, #tpu.memory_space<hbm>>
      tpu.enqueue_indirect_dma source(%dma_start3A_112 : memref<1000000xf32, #tpu.memory_space<hbm>>) target(%dma_start3A_108 : memref<128xf32, #tpu.memory_space<vmem>>) offsets(%dma_start3A_110 : memref<128xi32, #tpu.memory_space<vmem>>) semaphore(%arg11 : memref<!tpu.dma_semaphore, #tpu.memory_space<semaphore_mem>>)
      %dma_start3A_113 = arith.constant 896 : i32
      %dma_start3A_114 = arith.constant 0 : i32
      %dma_start3A_115 = tpu.memref_slice %arg7[%dma_start3A_113, %dma_start3A_114] : memref<1664x16xf32, #tpu.memory_space<vmem>> -> memref<128x16xf32, #tpu.memory_space<vmem>>
      %dma_start3A_116 = arith.constant 896 : i32
      %dma_start3A_117 = tpu.memref_slice %arg6[%dma_start3A_116] : memref<1664xi32, #tpu.memory_space<vmem>> -> memref<128xi32, #tpu.memory_space<vmem>>
      %dma_start3A_118 = arith.constant 0 : i32
      %dma_start3A_119 = arith.constant 0 : i32
      %dma_start3A_120 = tpu.memref_slice %arg4[%dma_start3A_118, %dma_start3A_119] : memref<1000000x16xf32, #tpu.memory_space<hbm>> -> memref<1000000x16xf32, #tpu.memory_space<hbm>>
      tpu.enqueue_indirect_dma source(%dma_start3A_120 : memref<1000000x16xf32, #tpu.memory_space<hbm>>) target(%dma_start3A_115 : memref<128x16xf32, #tpu.memory_space<vmem>>) offsets(%dma_start3A_117 : memref<128xi32, #tpu.memory_space<vmem>>) semaphore(%arg10 : memref<!tpu.dma_semaphore, #tpu.memory_space<semaphore_mem>>)
      %dma_start3A_121 = arith.constant 896 : i32
      %dma_start3A_122 = tpu.memref_slice %arg8[%dma_start3A_121] : memref<1680xf32, #tpu.memory_space<vmem>> -> memref<128xf32, #tpu.memory_space<vmem>>
      %dma_start3A_123 = arith.constant 896 : i32
      %dma_start3A_124 = tpu.memref_slice %arg6[%dma_start3A_123] : memref<1664xi32, #tpu.memory_space<vmem>> -> memref<128xi32, #tpu.memory_space<vmem>>
      %dma_start3A_125 = arith.constant 0 : i32
      %dma_start3A_126 = tpu.memref_slice %arg3[%dma_start3A_125] : memref<1000000xf32, #tpu.memory_space<hbm>> -> memref<1000000xf32, #tpu.memory_space<hbm>>
      tpu.enqueue_indirect_dma source(%dma_start3A_126 : memref<1000000xf32, #tpu.memory_space<hbm>>) target(%dma_start3A_122 : memref<128xf32, #tpu.memory_space<vmem>>) offsets(%dma_start3A_124 : memref<128xi32, #tpu.memory_space<vmem>>) semaphore(%arg11 : memref<!tpu.dma_semaphore, #tpu.memory_space<semaphore_mem>>)
      %dma_start3A_127 = arith.constant 1024 : i32
      %dma_start3A_128 = arith.constant 0 : i32
      %dma_start3A_129 = tpu.memref_slice %arg7[%dma_start3A_127, %dma_start3A_128] : memref<1664x16xf32, #tpu.memory_space<vmem>> -> memref<128x16xf32, #tpu.memory_space<vmem>>
      %dma_start3A_130 = arith.constant 1024 : i32
      %dma_start3A_131 = tpu.memref_slice %arg6[%dma_start3A_130] : memref<1664xi32, #tpu.memory_space<vmem>> -> memref<128xi32, #tpu.memory_space<vmem>>
      %dma_start3A_132 = arith.constant 0 : i32
      %dma_start3A_133 = arith.constant 0 : i32
      %dma_start3A_134 = tpu.memref_slice %arg4[%dma_start3A_132, %dma_start3A_133] : memref<1000000x16xf32, #tpu.memory_space<hbm>> -> memref<1000000x16xf32, #tpu.memory_space<hbm>>
      tpu.enqueue_indirect_dma source(%dma_start3A_134 : memref<1000000x16xf32, #tpu.memory_space<hbm>>) target(%dma_start3A_129 : memref<128x16xf32, #tpu.memory_space<vmem>>) offsets(%dma_start3A_131 : memref<128xi32, #tpu.memory_space<vmem>>) semaphore(%arg10 : memref<!tpu.dma_semaphore, #tpu.memory_space<semaphore_mem>>)
      %dma_start3A_135 = arith.constant 1024 : i32
      %dma_start3A_136 = tpu.memref_slice %arg8[%dma_start3A_135] : memref<1680xf32, #tpu.memory_space<vmem>> -> memref<128xf32, #tpu.memory_space<vmem>>
      %dma_start3A_137 = arith.constant 1024 : i32
      %dma_start3A_138 = tpu.memref_slice %arg6[%dma_start3A_137] : memref<1664xi32, #tpu.memory_space<vmem>> -> memref<128xi32, #tpu.memory_space<vmem>>
      %dma_start3A_139 = arith.constant 0 : i32
      %dma_start3A_140 = tpu.memref_slice %arg3[%dma_start3A_139] : memref<1000000xf32, #tpu.memory_space<hbm>> -> memref<1000000xf32, #tpu.memory_space<hbm>>
      tpu.enqueue_indirect_dma source(%dma_start3A_140 : memref<1000000xf32, #tpu.memory_space<hbm>>) target(%dma_start3A_136 : memref<128xf32, #tpu.memory_space<vmem>>) offsets(%dma_start3A_138 : memref<128xi32, #tpu.memory_space<vmem>>) semaphore(%arg11 : memref<!tpu.dma_semaphore, #tpu.memory_space<semaphore_mem>>)
      %dma_start3A_141 = arith.constant 1152 : i32
      %dma_start3A_142 = arith.constant 0 : i32
      %dma_start3A_143 = tpu.memref_slice %arg7[%dma_start3A_141, %dma_start3A_142] : memref<1664x16xf32, #tpu.memory_space<vmem>> -> memref<128x16xf32, #tpu.memory_space<vmem>>
      %dma_start3A_144 = arith.constant 1152 : i32
      %dma_start3A_145 = tpu.memref_slice %arg6[%dma_start3A_144] : memref<1664xi32, #tpu.memory_space<vmem>> -> memref<128xi32, #tpu.memory_space<vmem>>
      %dma_start3A_146 = arith.constant 0 : i32
      %dma_start3A_147 = arith.constant 0 : i32
      %dma_start3A_148 = tpu.memref_slice %arg4[%dma_start3A_146, %dma_start3A_147] : memref<1000000x16xf32, #tpu.memory_space<hbm>> -> memref<1000000x16xf32, #tpu.memory_space<hbm>>
      tpu.enqueue_indirect_dma source(%dma_start3A_148 : memref<1000000x16xf32, #tpu.memory_space<hbm>>) target(%dma_start3A_143 : memref<128x16xf32, #tpu.memory_space<vmem>>) offsets(%dma_start3A_145 : memref<128xi32, #tpu.memory_space<vmem>>) semaphore(%arg10 : memref<!tpu.dma_semaphore, #tpu.memory_space<semaphore_mem>>)
      %dma_start3A_149 = arith.constant 1152 : i32
      %dma_start3A_150 = tpu.memref_slice %arg8[%dma_start3A_149] : memref<1680xf32, #tpu.memory_space<vmem>> -> memref<128xf32, #tpu.memory_space<vmem>>
      %dma_start3A_151 = arith.constant 1152 : i32
      %dma_start3A_152 = tpu.memref_slice %arg6[%dma_start3A_151] : memref<1664xi32, #tpu.memory_space<vmem>> -> memref<128xi32, #tpu.memory_space<vmem>>
      %dma_start3A_153 = arith.constant 0 : i32
      %dma_start3A_154 = tpu.memref_slice %arg3[%dma_start3A_153] : memref<1000000xf32, #tpu.memory_space<hbm>> -> memref<1000000xf32, #tpu.memory_space<hbm>>
      tpu.enqueue_indirect_dma source(%dma_start3A_154 : memref<1000000xf32, #tpu.memory_space<hbm>>) target(%dma_start3A_150 : memref<128xf32, #tpu.memory_space<vmem>>) offsets(%dma_start3A_152 : memref<128xi32, #tpu.memory_space<vmem>>) semaphore(%arg11 : memref<!tpu.dma_semaphore, #tpu.memory_space<semaphore_mem>>)
      %dma_start3A_155 = arith.constant 1280 : i32
      %dma_start3A_156 = arith.constant 0 : i32
      %dma_start3A_157 = tpu.memref_slice %arg7[%dma_start3A_155, %dma_start3A_156] : memref<1664x16xf32, #tpu.memory_space<vmem>> -> memref<128x16xf32, #tpu.memory_space<vmem>>
      %dma_start3A_158 = arith.constant 1280 : i32
      %dma_start3A_159 = tpu.memref_slice %arg6[%dma_start3A_158] : memref<1664xi32, #tpu.memory_space<vmem>> -> memref<128xi32, #tpu.memory_space<vmem>>
      %dma_start3A_160 = arith.constant 0 : i32
      %dma_start3A_161 = arith.constant 0 : i32
      %dma_start3A_162 = tpu.memref_slice %arg4[%dma_start3A_160, %dma_start3A_161] : memref<1000000x16xf32, #tpu.memory_space<hbm>> -> memref<1000000x16xf32, #tpu.memory_space<hbm>>
      tpu.enqueue_indirect_dma source(%dma_start3A_162 : memref<1000000x16xf32, #tpu.memory_space<hbm>>) target(%dma_start3A_157 : memref<128x16xf32, #tpu.memory_space<vmem>>) offsets(%dma_start3A_159 : memref<128xi32, #tpu.memory_space<vmem>>) semaphore(%arg10 : memref<!tpu.dma_semaphore, #tpu.memory_space<semaphore_mem>>)
      %dma_start3A_163 = arith.constant 1280 : i32
      %dma_start3A_164 = tpu.memref_slice %arg8[%dma_start3A_163] : memref<1680xf32, #tpu.memory_space<vmem>> -> memref<128xf32, #tpu.memory_space<vmem>>
      %dma_start3A_165 = arith.constant 1280 : i32
      %dma_start3A_166 = tpu.memref_slice %arg6[%dma_start3A_165] : memref<1664xi32, #tpu.memory_space<vmem>> -> memref<128xi32, #tpu.memory_space<vmem>>
      %dma_start3A_167 = arith.constant 0 : i32
      %dma_start3A_168 = tpu.memref_slice %arg3[%dma_start3A_167] : memref<1000000xf32, #tpu.memory_space<hbm>> -> memref<1000000xf32, #tpu.memory_space<hbm>>
      tpu.enqueue_indirect_dma source(%dma_start3A_168 : memref<1000000xf32, #tpu.memory_space<hbm>>) target(%dma_start3A_164 : memref<128xf32, #tpu.memory_space<vmem>>) offsets(%dma_start3A_166 : memref<128xi32, #tpu.memory_space<vmem>>) semaphore(%arg11 : memref<!tpu.dma_semaphore, #tpu.memory_space<semaphore_mem>>)
      %dma_start3A_169 = arith.constant 1408 : i32
      %dma_start3A_170 = arith.constant 0 : i32
      %dma_start3A_171 = tpu.memref_slice %arg7[%dma_start3A_169, %dma_start3A_170] : memref<1664x16xf32, #tpu.memory_space<vmem>> -> memref<128x16xf32, #tpu.memory_space<vmem>>
      %dma_start3A_172 = arith.constant 1408 : i32
      %dma_start3A_173 = tpu.memref_slice %arg6[%dma_start3A_172] : memref<1664xi32, #tpu.memory_space<vmem>> -> memref<128xi32, #tpu.memory_space<vmem>>
      %dma_start3A_174 = arith.constant 0 : i32
      %dma_start3A_175 = arith.constant 0 : i32
      %dma_start3A_176 = tpu.memref_slice %arg4[%dma_start3A_174, %dma_start3A_175] : memref<1000000x16xf32, #tpu.memory_space<hbm>> -> memref<1000000x16xf32, #tpu.memory_space<hbm>>
      tpu.enqueue_indirect_dma source(%dma_start3A_176 : memref<1000000x16xf32, #tpu.memory_space<hbm>>) target(%dma_start3A_171 : memref<128x16xf32, #tpu.memory_space<vmem>>) offsets(%dma_start3A_173 : memref<128xi32, #tpu.memory_space<vmem>>) semaphore(%arg10 : memref<!tpu.dma_semaphore, #tpu.memory_space<semaphore_mem>>)
      %dma_start3A_177 = arith.constant 1408 : i32
      %dma_start3A_178 = tpu.memref_slice %arg8[%dma_start3A_177] : memref<1680xf32, #tpu.memory_space<vmem>> -> memref<128xf32, #tpu.memory_space<vmem>>
      %dma_start3A_179 = arith.constant 1408 : i32
      %dma_start3A_180 = tpu.memref_slice %arg6[%dma_start3A_179] : memref<1664xi32, #tpu.memory_space<vmem>> -> memref<128xi32, #tpu.memory_space<vmem>>
      %dma_start3A_181 = arith.constant 0 : i32
      %dma_start3A_182 = tpu.memref_slice %arg3[%dma_start3A_181] : memref<1000000xf32, #tpu.memory_space<hbm>> -> memref<1000000xf32, #tpu.memory_space<hbm>>
      tpu.enqueue_indirect_dma source(%dma_start3A_182 : memref<1000000xf32, #tpu.memory_space<hbm>>) target(%dma_start3A_178 : memref<128xf32, #tpu.memory_space<vmem>>) offsets(%dma_start3A_180 : memref<128xi32, #tpu.memory_space<vmem>>) semaphore(%arg11 : memref<!tpu.dma_semaphore, #tpu.memory_space<semaphore_mem>>)
      %dma_start3A_183 = arith.constant 1536 : i32
      %dma_start3A_184 = arith.constant 0 : i32
      %dma_start3A_185 = tpu.memref_slice %arg7[%dma_start3A_183, %dma_start3A_184] : memref<1664x16xf32, #tpu.memory_space<vmem>> -> memref<128x16xf32, #tpu.memory_space<vmem>>
      %dma_start3A_186 = arith.constant 1536 : i32
      %dma_start3A_187 = tpu.memref_slice %arg6[%dma_start3A_186] : memref<1664xi32, #tpu.memory_space<vmem>> -> memref<128xi32, #tpu.memory_space<vmem>>
      %dma_start3A_188 = arith.constant 0 : i32
      %dma_start3A_189 = arith.constant 0 : i32
      %dma_start3A_190 = tpu.memref_slice %arg4[%dma_start3A_188, %dma_start3A_189] : memref<1000000x16xf32, #tpu.memory_space<hbm>> -> memref<1000000x16xf32, #tpu.memory_space<hbm>>
      tpu.enqueue_indirect_dma source(%dma_start3A_190 : memref<1000000x16xf32, #tpu.memory_space<hbm>>) target(%dma_start3A_185 : memref<128x16xf32, #tpu.memory_space<vmem>>) offsets(%dma_start3A_187 : memref<128xi32, #tpu.memory_space<vmem>>) semaphore(%arg10 : memref<!tpu.dma_semaphore, #tpu.memory_space<semaphore_mem>>)
      %dma_start3A_191 = arith.constant 1536 : i32
      %dma_start3A_192 = tpu.memref_slice %arg8[%dma_start3A_191] : memref<1680xf32, #tpu.memory_space<vmem>> -> memref<128xf32, #tpu.memory_space<vmem>>
      %dma_start3A_193 = arith.constant 1536 : i32
      %dma_start3A_194 = tpu.memref_slice %arg6[%dma_start3A_193] : memref<1664xi32, #tpu.memory_space<vmem>> -> memref<128xi32, #tpu.memory_space<vmem>>
      %dma_start3A_195 = arith.constant 0 : i32
      %dma_start3A_196 = tpu.memref_slice %arg3[%dma_start3A_195] : memref<1000000xf32, #tpu.memory_space<hbm>> -> memref<1000000xf32, #tpu.memory_space<hbm>>
      tpu.enqueue_indirect_dma source(%dma_start3A_196 : memref<1000000xf32, #tpu.memory_space<hbm>>) target(%dma_start3A_192 : memref<128xf32, #tpu.memory_space<vmem>>) offsets(%dma_start3A_194 : memref<128xi32, #tpu.memory_space<vmem>>) semaphore(%arg11 : memref<!tpu.dma_semaphore, #tpu.memory_space<semaphore_mem>>)
      %dma_wait3A = arith.constant 0 : i32
      %dma_wait3A_197 = arith.constant 0 : i32
      %dma_wait3A_198 = tpu.memref_slice %arg7[%dma_wait3A, %dma_wait3A_197] : memref<1664x16xf32, #tpu.memory_space<vmem>> -> memref<128x16xf32, #tpu.memory_space<vmem>>
      %dma_wait3A_199 = arith.constant 0 : i32
      %dma_wait3A_200 = tpu.memref_slice %arg6[%dma_wait3A_199] : memref<1664xi32, #tpu.memory_space<vmem>> -> memref<128xi32, #tpu.memory_space<vmem>>
      %dma_wait3A_201 = arith.constant 0 : i32
      %dma_wait3A_202 = arith.constant 0 : i32
      %dma_wait3A_203 = tpu.memref_slice %arg4[%dma_wait3A_201, %dma_wait3A_202] : memref<1000000x16xf32, #tpu.memory_space<hbm>> -> memref<1000000x16xf32, #tpu.memory_space<hbm>>
      tpu.wait_indirect_dma semaphore(%arg10 : memref<!tpu.dma_semaphore, #tpu.memory_space<semaphore_mem>>) src(%dma_wait3A_203 : memref<1000000x16xf32, #tpu.memory_space<hbm>>) dst(%dma_wait3A_198 : memref<128x16xf32, #tpu.memory_space<vmem>>)
      %dma_wait3A_204 = arith.constant 0 : i32
      %dma_wait3A_205 = tpu.memref_slice %arg8[%dma_wait3A_204] : memref<1680xf32, #tpu.memory_space<vmem>> -> memref<128xf32, #tpu.memory_space<vmem>>
      %dma_wait3A_206 = arith.constant 0 : i32
      %dma_wait3A_207 = tpu.memref_slice %arg6[%dma_wait3A_206] : memref<1664xi32, #tpu.memory_space<vmem>> -> memref<128xi32, #tpu.memory_space<vmem>>
      %dma_wait3A_208 = arith.constant 0 : i32
      %dma_wait3A_209 = tpu.memref_slice %arg3[%dma_wait3A_208] : memref<1000000xf32, #tpu.memory_space<hbm>> -> memref<1000000xf32, #tpu.memory_space<hbm>>
      tpu.wait_indirect_dma semaphore(%arg11 : memref<!tpu.dma_semaphore, #tpu.memory_space<semaphore_mem>>) src(%dma_wait3A_209 : memref<1000000xf32, #tpu.memory_space<hbm>>) dst(%dma_wait3A_205 : memref<128xf32, #tpu.memory_space<vmem>>)
      %dma_wait3A_210 = arith.constant 128 : i32
      %dma_wait3A_211 = arith.constant 0 : i32
      %dma_wait3A_212 = tpu.memref_slice %arg7[%dma_wait3A_210, %dma_wait3A_211] : memref<1664x16xf32, #tpu.memory_space<vmem>> -> memref<128x16xf32, #tpu.memory_space<vmem>>
      %dma_wait3A_213 = arith.constant 128 : i32
      %dma_wait3A_214 = tpu.memref_slice %arg6[%dma_wait3A_213] : memref<1664xi32, #tpu.memory_space<vmem>> -> memref<128xi32, #tpu.memory_space<vmem>>
      %dma_wait3A_215 = arith.constant 0 : i32
      %dma_wait3A_216 = arith.constant 0 : i32
      %dma_wait3A_217 = tpu.memref_slice %arg4[%dma_wait3A_215, %dma_wait3A_216] : memref<1000000x16xf32, #tpu.memory_space<hbm>> -> memref<1000000x16xf32, #tpu.memory_space<hbm>>
      tpu.wait_indirect_dma semaphore(%arg10 : memref<!tpu.dma_semaphore, #tpu.memory_space<semaphore_mem>>) src(%dma_wait3A_217 : memref<1000000x16xf32, #tpu.memory_space<hbm>>) dst(%dma_wait3A_212 : memref<128x16xf32, #tpu.memory_space<vmem>>)
      %dma_wait3A_218 = arith.constant 128 : i32
      %dma_wait3A_219 = tpu.memref_slice %arg8[%dma_wait3A_218] : memref<1680xf32, #tpu.memory_space<vmem>> -> memref<128xf32, #tpu.memory_space<vmem>>
      %dma_wait3A_220 = arith.constant 128 : i32
      %dma_wait3A_221 = tpu.memref_slice %arg6[%dma_wait3A_220] : memref<1664xi32, #tpu.memory_space<vmem>> -> memref<128xi32, #tpu.memory_space<vmem>>
      %dma_wait3A_222 = arith.constant 0 : i32
      %dma_wait3A_223 = tpu.memref_slice %arg3[%dma_wait3A_222] : memref<1000000xf32, #tpu.memory_space<hbm>> -> memref<1000000xf32, #tpu.memory_space<hbm>>
      tpu.wait_indirect_dma semaphore(%arg11 : memref<!tpu.dma_semaphore, #tpu.memory_space<semaphore_mem>>) src(%dma_wait3A_223 : memref<1000000xf32, #tpu.memory_space<hbm>>) dst(%dma_wait3A_219 : memref<128xf32, #tpu.memory_space<vmem>>)
      %dma_wait3A_224 = arith.constant 256 : i32
      %dma_wait3A_225 = arith.constant 0 : i32
      %dma_wait3A_226 = tpu.memref_slice %arg7[%dma_wait3A_224, %dma_wait3A_225] : memref<1664x16xf32, #tpu.memory_space<vmem>> -> memref<128x16xf32, #tpu.memory_space<vmem>>
      %dma_wait3A_227 = arith.constant 256 : i32
      %dma_wait3A_228 = tpu.memref_slice %arg6[%dma_wait3A_227] : memref<1664xi32, #tpu.memory_space<vmem>> -> memref<128xi32, #tpu.memory_space<vmem>>
      %dma_wait3A_229 = arith.constant 0 : i32
      %dma_wait3A_230 = arith.constant 0 : i32
      %dma_wait3A_231 = tpu.memref_slice %arg4[%dma_wait3A_229, %dma_wait3A_230] : memref<1000000x16xf32, #tpu.memory_space<hbm>> -> memref<1000000x16xf32, #tpu.memory_space<hbm>>
      tpu.wait_indirect_dma semaphore(%arg10 : memref<!tpu.dma_semaphore, #tpu.memory_space<semaphore_mem>>) src(%dma_wait3A_231 : memref<1000000x16xf32, #tpu.memory_space<hbm>>) dst(%dma_wait3A_226 : memref<128x16xf32, #tpu.memory_space<vmem>>)
      %dma_wait3A_232 = arith.constant 256 : i32
      %dma_wait3A_233 = tpu.memref_slice %arg8[%dma_wait3A_232] : memref<1680xf32, #tpu.memory_space<vmem>> -> memref<128xf32, #tpu.memory_space<vmem>>
      %dma_wait3A_234 = arith.constant 256 : i32
      %dma_wait3A_235 = tpu.memref_slice %arg6[%dma_wait3A_234] : memref<1664xi32, #tpu.memory_space<vmem>> -> memref<128xi32, #tpu.memory_space<vmem>>
      %dma_wait3A_236 = arith.constant 0 : i32
      %dma_wait3A_237 = tpu.memref_slice %arg3[%dma_wait3A_236] : memref<1000000xf32, #tpu.memory_space<hbm>> -> memref<1000000xf32, #tpu.memory_space<hbm>>
      tpu.wait_indirect_dma semaphore(%arg11 : memref<!tpu.dma_semaphore, #tpu.memory_space<semaphore_mem>>) src(%dma_wait3A_237 : memref<1000000xf32, #tpu.memory_space<hbm>>) dst(%dma_wait3A_233 : memref<128xf32, #tpu.memory_space<vmem>>)
      %dma_wait3A_238 = arith.constant 384 : i32
      %dma_wait3A_239 = arith.constant 0 : i32
      %dma_wait3A_240 = tpu.memref_slice %arg7[%dma_wait3A_238, %dma_wait3A_239] : memref<1664x16xf32, #tpu.memory_space<vmem>> -> memref<128x16xf32, #tpu.memory_space<vmem>>
      %dma_wait3A_241 = arith.constant 384 : i32
      %dma_wait3A_242 = tpu.memref_slice %arg6[%dma_wait3A_241] : memref<1664xi32, #tpu.memory_space<vmem>> -> memref<128xi32, #tpu.memory_space<vmem>>
      %dma_wait3A_243 = arith.constant 0 : i32
      %dma_wait3A_244 = arith.constant 0 : i32
      %dma_wait3A_245 = tpu.memref_slice %arg4[%dma_wait3A_243, %dma_wait3A_244] : memref<1000000x16xf32, #tpu.memory_space<hbm>> -> memref<1000000x16xf32, #tpu.memory_space<hbm>>
      tpu.wait_indirect_dma semaphore(%arg10 : memref<!tpu.dma_semaphore, #tpu.memory_space<semaphore_mem>>) src(%dma_wait3A_245 : memref<1000000x16xf32, #tpu.memory_space<hbm>>) dst(%dma_wait3A_240 : memref<128x16xf32, #tpu.memory_space<vmem>>)
      %dma_wait3A_246 = arith.constant 384 : i32
      %dma_wait3A_247 = tpu.memref_slice %arg8[%dma_wait3A_246] : memref<1680xf32, #tpu.memory_space<vmem>> -> memref<128xf32, #tpu.memory_space<vmem>>
      %dma_wait3A_248 = arith.constant 384 : i32
      %dma_wait3A_249 = tpu.memref_slice %arg6[%dma_wait3A_248] : memref<1664xi32, #tpu.memory_space<vmem>> -> memref<128xi32, #tpu.memory_space<vmem>>
      %dma_wait3A_250 = arith.constant 0 : i32
      %dma_wait3A_251 = tpu.memref_slice %arg3[%dma_wait3A_250] : memref<1000000xf32, #tpu.memory_space<hbm>> -> memref<1000000xf32, #tpu.memory_space<hbm>>
      tpu.wait_indirect_dma semaphore(%arg11 : memref<!tpu.dma_semaphore, #tpu.memory_space<semaphore_mem>>) src(%dma_wait3A_251 : memref<1000000xf32, #tpu.memory_space<hbm>>) dst(%dma_wait3A_247 : memref<128xf32, #tpu.memory_space<vmem>>)
      %dma_wait3A_252 = arith.constant 512 : i32
      %dma_wait3A_253 = arith.constant 0 : i32
      %dma_wait3A_254 = tpu.memref_slice %arg7[%dma_wait3A_252, %dma_wait3A_253] : memref<1664x16xf32, #tpu.memory_space<vmem>> -> memref<128x16xf32, #tpu.memory_space<vmem>>
      %dma_wait3A_255 = arith.constant 512 : i32
      %dma_wait3A_256 = tpu.memref_slice %arg6[%dma_wait3A_255] : memref<1664xi32, #tpu.memory_space<vmem>> -> memref<128xi32, #tpu.memory_space<vmem>>
      %dma_wait3A_257 = arith.constant 0 : i32
      %dma_wait3A_258 = arith.constant 0 : i32
      %dma_wait3A_259 = tpu.memref_slice %arg4[%dma_wait3A_257, %dma_wait3A_258] : memref<1000000x16xf32, #tpu.memory_space<hbm>> -> memref<1000000x16xf32, #tpu.memory_space<hbm>>
      tpu.wait_indirect_dma semaphore(%arg10 : memref<!tpu.dma_semaphore, #tpu.memory_space<semaphore_mem>>) src(%dma_wait3A_259 : memref<1000000x16xf32, #tpu.memory_space<hbm>>) dst(%dma_wait3A_254 : memref<128x16xf32, #tpu.memory_space<vmem>>)
      %dma_wait3A_260 = arith.constant 512 : i32
      %dma_wait3A_261 = tpu.memref_slice %arg8[%dma_wait3A_260] : memref<1680xf32, #tpu.memory_space<vmem>> -> memref<128xf32, #tpu.memory_space<vmem>>
      %dma_wait3A_262 = arith.constant 512 : i32
      %dma_wait3A_263 = tpu.memref_slice %arg6[%dma_wait3A_262] : memref<1664xi32, #tpu.memory_space<vmem>> -> memref<128xi32, #tpu.memory_space<vmem>>
      %dma_wait3A_264 = arith.constant 0 : i32
      %dma_wait3A_265 = tpu.memref_slice %arg3[%dma_wait3A_264] : memref<1000000xf32, #tpu.memory_space<hbm>> -> memref<1000000xf32, #tpu.memory_space<hbm>>
      tpu.wait_indirect_dma semaphore(%arg11 : memref<!tpu.dma_semaphore, #tpu.memory_space<semaphore_mem>>) src(%dma_wait3A_265 : memref<1000000xf32, #tpu.memory_space<hbm>>) dst(%dma_wait3A_261 : memref<128xf32, #tpu.memory_space<vmem>>)
      %dma_wait3A_266 = arith.constant 640 : i32
      %dma_wait3A_267 = arith.constant 0 : i32
      %dma_wait3A_268 = tpu.memref_slice %arg7[%dma_wait3A_266, %dma_wait3A_267] : memref<1664x16xf32, #tpu.memory_space<vmem>> -> memref<128x16xf32, #tpu.memory_space<vmem>>
      %dma_wait3A_269 = arith.constant 640 : i32
      %dma_wait3A_270 = tpu.memref_slice %arg6[%dma_wait3A_269] : memref<1664xi32, #tpu.memory_space<vmem>> -> memref<128xi32, #tpu.memory_space<vmem>>
      %dma_wait3A_271 = arith.constant 0 : i32
      %dma_wait3A_272 = arith.constant 0 : i32
      %dma_wait3A_273 = tpu.memref_slice %arg4[%dma_wait3A_271, %dma_wait3A_272] : memref<1000000x16xf32, #tpu.memory_space<hbm>> -> memref<1000000x16xf32, #tpu.memory_space<hbm>>
      tpu.wait_indirect_dma semaphore(%arg10 : memref<!tpu.dma_semaphore, #tpu.memory_space<semaphore_mem>>) src(%dma_wait3A_273 : memref<1000000x16xf32, #tpu.memory_space<hbm>>) dst(%dma_wait3A_268 : memref<128x16xf32, #tpu.memory_space<vmem>>)
      %dma_wait3A_274 = arith.constant 640 : i32
      %dma_wait3A_275 = tpu.memref_slice %arg8[%dma_wait3A_274] : memref<1680xf32, #tpu.memory_space<vmem>> -> memref<128xf32, #tpu.memory_space<vmem>>
      %dma_wait3A_276 = arith.constant 640 : i32
      %dma_wait3A_277 = tpu.memref_slice %arg6[%dma_wait3A_276] : memref<1664xi32, #tpu.memory_space<vmem>> -> memref<128xi32, #tpu.memory_space<vmem>>
      %dma_wait3A_278 = arith.constant 0 : i32
      %dma_wait3A_279 = tpu.memref_slice %arg3[%dma_wait3A_278] : memref<1000000xf32, #tpu.memory_space<hbm>> -> memref<1000000xf32, #tpu.memory_space<hbm>>
      tpu.wait_indirect_dma semaphore(%arg11 : memref<!tpu.dma_semaphore, #tpu.memory_space<semaphore_mem>>) src(%dma_wait3A_279 : memref<1000000xf32, #tpu.memory_space<hbm>>) dst(%dma_wait3A_275 : memref<128xf32, #tpu.memory_space<vmem>>)
      %dma_wait3A_280 = arith.constant 768 : i32
      %dma_wait3A_281 = arith.constant 0 : i32
      %dma_wait3A_282 = tpu.memref_slice %arg7[%dma_wait3A_280, %dma_wait3A_281] : memref<1664x16xf32, #tpu.memory_space<vmem>> -> memref<128x16xf32, #tpu.memory_space<vmem>>
      %dma_wait3A_283 = arith.constant 768 : i32
      %dma_wait3A_284 = tpu.memref_slice %arg6[%dma_wait3A_283] : memref<1664xi32, #tpu.memory_space<vmem>> -> memref<128xi32, #tpu.memory_space<vmem>>
      %dma_wait3A_285 = arith.constant 0 : i32
      %dma_wait3A_286 = arith.constant 0 : i32
      %dma_wait3A_287 = tpu.memref_slice %arg4[%dma_wait3A_285, %dma_wait3A_286] : memref<1000000x16xf32, #tpu.memory_space<hbm>> -> memref<1000000x16xf32, #tpu.memory_space<hbm>>
      tpu.wait_indirect_dma semaphore(%arg10 : memref<!tpu.dma_semaphore, #tpu.memory_space<semaphore_mem>>) src(%dma_wait3A_287 : memref<1000000x16xf32, #tpu.memory_space<hbm>>) dst(%dma_wait3A_282 : memref<128x16xf32, #tpu.memory_space<vmem>>)
      %dma_wait3A_288 = arith.constant 768 : i32
      %dma_wait3A_289 = tpu.memref_slice %arg8[%dma_wait3A_288] : memref<1680xf32, #tpu.memory_space<vmem>> -> memref<128xf32, #tpu.memory_space<vmem>>
      %dma_wait3A_290 = arith.constant 768 : i32
      %dma_wait3A_291 = tpu.memref_slice %arg6[%dma_wait3A_290] : memref<1664xi32, #tpu.memory_space<vmem>> -> memref<128xi32, #tpu.memory_space<vmem>>
      %dma_wait3A_292 = arith.constant 0 : i32
      %dma_wait3A_293 = tpu.memref_slice %arg3[%dma_wait3A_292] : memref<1000000xf32, #tpu.memory_space<hbm>> -> memref<1000000xf32, #tpu.memory_space<hbm>>
      tpu.wait_indirect_dma semaphore(%arg11 : memref<!tpu.dma_semaphore, #tpu.memory_space<semaphore_mem>>) src(%dma_wait3A_293 : memref<1000000xf32, #tpu.memory_space<hbm>>) dst(%dma_wait3A_289 : memref<128xf32, #tpu.memory_space<vmem>>)
      %dma_wait3A_294 = arith.constant 896 : i32
      %dma_wait3A_295 = arith.constant 0 : i32
      %dma_wait3A_296 = tpu.memref_slice %arg7[%dma_wait3A_294, %dma_wait3A_295] : memref<1664x16xf32, #tpu.memory_space<vmem>> -> memref<128x16xf32, #tpu.memory_space<vmem>>
      %dma_wait3A_297 = arith.constant 896 : i32
      %dma_wait3A_298 = tpu.memref_slice %arg6[%dma_wait3A_297] : memref<1664xi32, #tpu.memory_space<vmem>> -> memref<128xi32, #tpu.memory_space<vmem>>
      %dma_wait3A_299 = arith.constant 0 : i32
      %dma_wait3A_300 = arith.constant 0 : i32
      %dma_wait3A_301 = tpu.memref_slice %arg4[%dma_wait3A_299, %dma_wait3A_300] : memref<1000000x16xf32, #tpu.memory_space<hbm>> -> memref<1000000x16xf32, #tpu.memory_space<hbm>>
      tpu.wait_indirect_dma semaphore(%arg10 : memref<!tpu.dma_semaphore, #tpu.memory_space<semaphore_mem>>) src(%dma_wait3A_301 : memref<1000000x16xf32, #tpu.memory_space<hbm>>) dst(%dma_wait3A_296 : memref<128x16xf32, #tpu.memory_space<vmem>>)
      %dma_wait3A_302 = arith.constant 896 : i32
      %dma_wait3A_303 = tpu.memref_slice %arg8[%dma_wait3A_302] : memref<1680xf32, #tpu.memory_space<vmem>> -> memref<128xf32, #tpu.memory_space<vmem>>
      %dma_wait3A_304 = arith.constant 896 : i32
      %dma_wait3A_305 = tpu.memref_slice %arg6[%dma_wait3A_304] : memref<1664xi32, #tpu.memory_space<vmem>> -> memref<128xi32, #tpu.memory_space<vmem>>
      %dma_wait3A_306 = arith.constant 0 : i32
      %dma_wait3A_307 = tpu.memref_slice %arg3[%dma_wait3A_306] : memref<1000000xf32, #tpu.memory_space<hbm>> -> memref<1000000xf32, #tpu.memory_space<hbm>>
      tpu.wait_indirect_dma semaphore(%arg11 : memref<!tpu.dma_semaphore, #tpu.memory_space<semaphore_mem>>) src(%dma_wait3A_307 : memref<1000000xf32, #tpu.memory_space<hbm>>) dst(%dma_wait3A_303 : memref<128xf32, #tpu.memory_space<vmem>>)
      %dma_wait3A_308 = arith.constant 1024 : i32
      %dma_wait3A_309 = arith.constant 0 : i32
      %dma_wait3A_310 = tpu.memref_slice %arg7[%dma_wait3A_308, %dma_wait3A_309] : memref<1664x16xf32, #tpu.memory_space<vmem>> -> memref<128x16xf32, #tpu.memory_space<vmem>>
      %dma_wait3A_311 = arith.constant 1024 : i32
      %dma_wait3A_312 = tpu.memref_slice %arg6[%dma_wait3A_311] : memref<1664xi32, #tpu.memory_space<vmem>> -> memref<128xi32, #tpu.memory_space<vmem>>
      %dma_wait3A_313 = arith.constant 0 : i32
      %dma_wait3A_314 = arith.constant 0 : i32
      %dma_wait3A_315 = tpu.memref_slice %arg4[%dma_wait3A_313, %dma_wait3A_314] : memref<1000000x16xf32, #tpu.memory_space<hbm>> -> memref<1000000x16xf32, #tpu.memory_space<hbm>>
      tpu.wait_indirect_dma semaphore(%arg10 : memref<!tpu.dma_semaphore, #tpu.memory_space<semaphore_mem>>) src(%dma_wait3A_315 : memref<1000000x16xf32, #tpu.memory_space<hbm>>) dst(%dma_wait3A_310 : memref<128x16xf32, #tpu.memory_space<vmem>>)
      %dma_wait3A_316 = arith.constant 1024 : i32
      %dma_wait3A_317 = tpu.memref_slice %arg8[%dma_wait3A_316] : memref<1680xf32, #tpu.memory_space<vmem>> -> memref<128xf32, #tpu.memory_space<vmem>>
      %dma_wait3A_318 = arith.constant 1024 : i32
      %dma_wait3A_319 = tpu.memref_slice %arg6[%dma_wait3A_318] : memref<1664xi32, #tpu.memory_space<vmem>> -> memref<128xi32, #tpu.memory_space<vmem>>
      %dma_wait3A_320 = arith.constant 0 : i32
      %dma_wait3A_321 = tpu.memref_slice %arg3[%dma_wait3A_320] : memref<1000000xf32, #tpu.memory_space<hbm>> -> memref<1000000xf32, #tpu.memory_space<hbm>>
      tpu.wait_indirect_dma semaphore(%arg11 : memref<!tpu.dma_semaphore, #tpu.memory_space<semaphore_mem>>) src(%dma_wait3A_321 : memref<1000000xf32, #tpu.memory_space<hbm>>) dst(%dma_wait3A_317 : memref<128xf32, #tpu.memory_space<vmem>>)
      %dma_wait3A_322 = arith.constant 1152 : i32
      %dma_wait3A_323 = arith.constant 0 : i32
      %dma_wait3A_324 = tpu.memref_slice %arg7[%dma_wait3A_322, %dma_wait3A_323] : memref<1664x16xf32, #tpu.memory_space<vmem>> -> memref<128x16xf32, #tpu.memory_space<vmem>>
      %dma_wait3A_325 = arith.constant 1152 : i32
      %dma_wait3A_326 = tpu.memref_slice %arg6[%dma_wait3A_325] : memref<1664xi32, #tpu.memory_space<vmem>> -> memref<128xi32, #tpu.memory_space<vmem>>
      %dma_wait3A_327 = arith.constant 0 : i32
      %dma_wait3A_328 = arith.constant 0 : i32
      %dma_wait3A_329 = tpu.memref_slice %arg4[%dma_wait3A_327, %dma_wait3A_328] : memref<1000000x16xf32, #tpu.memory_space<hbm>> -> memref<1000000x16xf32, #tpu.memory_space<hbm>>
      tpu.wait_indirect_dma semaphore(%arg10 : memref<!tpu.dma_semaphore, #tpu.memory_space<semaphore_mem>>) src(%dma_wait3A_329 : memref<1000000x16xf32, #tpu.memory_space<hbm>>) dst(%dma_wait3A_324 : memref<128x16xf32, #tpu.memory_space<vmem>>)
      %dma_wait3A_330 = arith.constant 1152 : i32
      %dma_wait3A_331 = tpu.memref_slice %arg8[%dma_wait3A_330] : memref<1680xf32, #tpu.memory_space<vmem>> -> memref<128xf32, #tpu.memory_space<vmem>>
      %dma_wait3A_332 = arith.constant 1152 : i32
      %dma_wait3A_333 = tpu.memref_slice %arg6[%dma_wait3A_332] : memref<1664xi32, #tpu.memory_space<vmem>> -> memref<128xi32, #tpu.memory_space<vmem>>
      %dma_wait3A_334 = arith.constant 0 : i32
      %dma_wait3A_335 = tpu.memref_slice %arg3[%dma_wait3A_334] : memref<1000000xf32, #tpu.memory_space<hbm>> -> memref<1000000xf32, #tpu.memory_space<hbm>>
      tpu.wait_indirect_dma semaphore(%arg11 : memref<!tpu.dma_semaphore, #tpu.memory_space<semaphore_mem>>) src(%dma_wait3A_335 : memref<1000000xf32, #tpu.memory_space<hbm>>) dst(%dma_wait3A_331 : memref<128xf32, #tpu.memory_space<vmem>>)
      %dma_wait3A_336 = arith.constant 1280 : i32
      %dma_wait3A_337 = arith.constant 0 : i32
      %dma_wait3A_338 = tpu.memref_slice %arg7[%dma_wait3A_336, %dma_wait3A_337] : memref<1664x16xf32, #tpu.memory_space<vmem>> -> memref<128x16xf32, #tpu.memory_space<vmem>>
      %dma_wait3A_339 = arith.constant 1280 : i32
      %dma_wait3A_340 = tpu.memref_slice %arg6[%dma_wait3A_339] : memref<1664xi32, #tpu.memory_space<vmem>> -> memref<128xi32, #tpu.memory_space<vmem>>
      %dma_wait3A_341 = arith.constant 0 : i32
      %dma_wait3A_342 = arith.constant 0 : i32
      %dma_wait3A_343 = tpu.memref_slice %arg4[%dma_wait3A_341, %dma_wait3A_342] : memref<1000000x16xf32, #tpu.memory_space<hbm>> -> memref<1000000x16xf32, #tpu.memory_space<hbm>>
      tpu.wait_indirect_dma semaphore(%arg10 : memref<!tpu.dma_semaphore, #tpu.memory_space<semaphore_mem>>) src(%dma_wait3A_343 : memref<1000000x16xf32, #tpu.memory_space<hbm>>) dst(%dma_wait3A_338 : memref<128x16xf32, #tpu.memory_space<vmem>>)
      %dma_wait3A_344 = arith.constant 1280 : i32
      %dma_wait3A_345 = tpu.memref_slice %arg8[%dma_wait3A_344] : memref<1680xf32, #tpu.memory_space<vmem>> -> memref<128xf32, #tpu.memory_space<vmem>>
      %dma_wait3A_346 = arith.constant 1280 : i32
      %dma_wait3A_347 = tpu.memref_slice %arg6[%dma_wait3A_346] : memref<1664xi32, #tpu.memory_space<vmem>> -> memref<128xi32, #tpu.memory_space<vmem>>
      %dma_wait3A_348 = arith.constant 0 : i32
      %dma_wait3A_349 = tpu.memref_slice %arg3[%dma_wait3A_348] : memref<1000000xf32, #tpu.memory_space<hbm>> -> memref<1000000xf32, #tpu.memory_space<hbm>>
      tpu.wait_indirect_dma semaphore(%arg11 : memref<!tpu.dma_semaphore, #tpu.memory_space<semaphore_mem>>) src(%dma_wait3A_349 : memref<1000000xf32, #tpu.memory_space<hbm>>) dst(%dma_wait3A_345 : memref<128xf32, #tpu.memory_space<vmem>>)
      %dma_wait3A_350 = arith.constant 1408 : i32
      %dma_wait3A_351 = arith.constant 0 : i32
      %dma_wait3A_352 = tpu.memref_slice %arg7[%dma_wait3A_350, %dma_wait3A_351] : memref<1664x16xf32, #tpu.memory_space<vmem>> -> memref<128x16xf32, #tpu.memory_space<vmem>>
      %dma_wait3A_353 = arith.constant 1408 : i32
      %dma_wait3A_354 = tpu.memref_slice %arg6[%dma_wait3A_353] : memref<1664xi32, #tpu.memory_space<vmem>> -> memref<128xi32, #tpu.memory_space<vmem>>
      %dma_wait3A_355 = arith.constant 0 : i32
      %dma_wait3A_356 = arith.constant 0 : i32
      %dma_wait3A_357 = tpu.memref_slice %arg4[%dma_wait3A_355, %dma_wait3A_356] : memref<1000000x16xf32, #tpu.memory_space<hbm>> -> memref<1000000x16xf32, #tpu.memory_space<hbm>>
      tpu.wait_indirect_dma semaphore(%arg10 : memref<!tpu.dma_semaphore, #tpu.memory_space<semaphore_mem>>) src(%dma_wait3A_357 : memref<1000000x16xf32, #tpu.memory_space<hbm>>) dst(%dma_wait3A_352 : memref<128x16xf32, #tpu.memory_space<vmem>>)
      %dma_wait3A_358 = arith.constant 1408 : i32
      %dma_wait3A_359 = tpu.memref_slice %arg8[%dma_wait3A_358] : memref<1680xf32, #tpu.memory_space<vmem>> -> memref<128xf32, #tpu.memory_space<vmem>>
      %dma_wait3A_360 = arith.constant 1408 : i32
      %dma_wait3A_361 = tpu.memref_slice %arg6[%dma_wait3A_360] : memref<1664xi32, #tpu.memory_space<vmem>> -> memref<128xi32, #tpu.memory_space<vmem>>
      %dma_wait3A_362 = arith.constant 0 : i32
      %dma_wait3A_363 = tpu.memref_slice %arg3[%dma_wait3A_362] : memref<1000000xf32, #tpu.memory_space<hbm>> -> memref<1000000xf32, #tpu.memory_space<hbm>>
      tpu.wait_indirect_dma semaphore(%arg11 : memref<!tpu.dma_semaphore, #tpu.memory_space<semaphore_mem>>) src(%dma_wait3A_363 : memref<1000000xf32, #tpu.memory_space<hbm>>) dst(%dma_wait3A_359 : memref<128xf32, #tpu.memory_space<vmem>>)
      %dma_wait3A_364 = arith.constant 1536 : i32
      %dma_wait3A_365 = arith.constant 0 : i32
      %dma_wait3A_366 = tpu.memref_slice %arg7[%dma_wait3A_364, %dma_wait3A_365] : memref<1664x16xf32, #tpu.memory_space<vmem>> -> memref<128x16xf32, #tpu.memory_space<vmem>>
      %dma_wait3A_367 = arith.constant 1536 : i32
      %dma_wait3A_368 = tpu.memref_slice %arg6[%dma_wait3A_367] : memref<1664xi32, #tpu.memory_space<vmem>> -> memref<128xi32, #tpu.memory_space<vmem>>
      %dma_wait3A_369 = arith.constant 0 : i32
      %dma_wait3A_370 = arith.constant 0 : i32
      %dma_wait3A_371 = tpu.memref_slice %arg4[%dma_wait3A_369, %dma_wait3A_370] : memref<1000000x16xf32, #tpu.memory_space<hbm>> -> memref<1000000x16xf32, #tpu.memory_space<hbm>>
      tpu.wait_indirect_dma semaphore(%arg10 : memref<!tpu.dma_semaphore, #tpu.memory_space<semaphore_mem>>) src(%dma_wait3A_371 : memref<1000000x16xf32, #tpu.memory_space<hbm>>) dst(%dma_wait3A_366 : memref<128x16xf32, #tpu.memory_space<vmem>>)
      %dma_wait3A_372 = arith.constant 1536 : i32
      %dma_wait3A_373 = tpu.memref_slice %arg8[%dma_wait3A_372] : memref<1680xf32, #tpu.memory_space<vmem>> -> memref<128xf32, #tpu.memory_space<vmem>>
      %dma_wait3A_374 = arith.constant 1536 : i32
      %dma_wait3A_375 = tpu.memref_slice %arg6[%dma_wait3A_374] : memref<1664xi32, #tpu.memory_space<vmem>> -> memref<128xi32, #tpu.memory_space<vmem>>
      %dma_wait3A_376 = arith.constant 0 : i32
      %dma_wait3A_377 = tpu.memref_slice %arg3[%dma_wait3A_376] : memref<1000000xf32, #tpu.memory_space<hbm>> -> memref<1000000xf32, #tpu.memory_space<hbm>>
      tpu.wait_indirect_dma semaphore(%arg11 : memref<!tpu.dma_semaphore, #tpu.memory_space<semaphore_mem>>) src(%dma_wait3A_377 : memref<1000000xf32, #tpu.memory_space<hbm>>) dst(%dma_wait3A_373 : memref<128xf32, #tpu.memory_space<vmem>>)
      %scan3A_378 = arith.constant 0 : i32
      %scan3A_379 = arith.constant 0 : i32
      %scan3A_380 = arith.constant 64 : i32
      %scan3A_381 = arith.addi %scan3A_379, %scan3A_380 : i32
      %scan3A_382 = arith.constant 1 : i32
      scf.for %scan3A_386 = %scan3A_379 to %scan3A_381 step %scan3A_382  : i32 {
        %mul3A_387 = arith.constant 26 : i32
        %mul3A_388 = arith.muli %scan3A_386, %mul3A_387 : i32
        %get3A = arith.index_cast %mul3A_388 : i32 to index
        %get3A_389 = arith.constant 0 : index
        %get3A_390 = tpu.vector_load %arg7[%get3A, %get3A_389] {strides = array<i32>} : memref<1664x16xf32, #tpu.memory_space<vmem>>, vector<1x16xf32>,
        %get3A_391 = vector.shape_cast %get3A_390 : vector<1x16xf32> to vector<16xf32>
        %mul3A_392 = arith.mulf %get3A_391, %get3A_391 : vector<16xf32>
        %add3A_393 = arith.constant 1 : i32
        %add3A_394 = arith.addi %mul3A_388, %add3A_393 : i32
        %get3A_395 = arith.index_cast %add3A_394 : i32 to index
        %get3A_396 = arith.constant 0 : index
        %get3A_397 = tpu.vector_load %arg7[%get3A_395, %get3A_396] {strides = array<i32>} : memref<1664x16xf32, #tpu.memory_space<vmem>>, vector<1x16xf32>,
        %get3A_398 = vector.shape_cast %get3A_397 : vector<1x16xf32> to vector<16xf32>
        %add3A_399 = arith.addf %get3A_391, %get3A_398 : vector<16xf32>
        %mul3A_400 = arith.mulf %get3A_398, %get3A_398 : vector<16xf32>
        %add3A_401 = arith.addf %mul3A_392, %mul3A_400 : vector<16xf32>
        %add3A_402 = arith.constant 2 : i32
        %add3A_403 = arith.addi %mul3A_388, %add3A_402 : i32
        %get3A_404 = arith.index_cast %add3A_403 : i32 to index
        %get3A_405 = arith.constant 0 : index
        %get3A_406 = tpu.vector_load %arg7[%get3A_404, %get3A_405] {strides = array<i32>} : memref<1664x16xf32, #tpu.memory_space<vmem>>, vector<1x16xf32>,
        %get3A_407 = vector.shape_cast %get3A_406 : vector<1x16xf32> to vector<16xf32>
        %add3A_408 = arith.addf %add3A_399, %get3A_407 : vector<16xf32>
        %mul3A_409 = arith.mulf %get3A_407, %get3A_407 : vector<16xf32>
        %add3A_410 = arith.addf %add3A_401, %mul3A_409 : vector<16xf32>
        %add3A_411 = arith.constant 3 : i32
        %add3A_412 = arith.addi %mul3A_388, %add3A_411 : i32
        %get3A_413 = arith.index_cast %add3A_412 : i32 to index
        %get3A_414 = arith.constant 0 : index
        %get3A_415 = tpu.vector_load %arg7[%get3A_413, %get3A_414] {strides = array<i32>} : memref<1664x16xf32, #tpu.memory_space<vmem>>, vector<1x16xf32>,
        %get3A_416 = vector.shape_cast %get3A_415 : vector<1x16xf32> to vector<16xf32>
        %add3A_417 = arith.addf %add3A_408, %get3A_416 : vector<16xf32>
        %mul3A_418 = arith.mulf %get3A_416, %get3A_416 : vector<16xf32>
        %add3A_419 = arith.addf %add3A_410, %mul3A_418 : vector<16xf32>
        %add3A_420 = arith.constant 4 : i32
        %add3A_421 = arith.addi %mul3A_388, %add3A_420 : i32
        %get3A_422 = arith.index_cast %add3A_421 : i32 to index
        %get3A_423 = arith.constant 0 : index
        %get3A_424 = tpu.vector_load %arg7[%get3A_422, %get3A_423] {strides = array<i32>} : memref<1664x16xf32, #tpu.memory_space<vmem>>, vector<1x16xf32>,
        %get3A_425 = vector.shape_cast %get3A_424 : vector<1x16xf32> to vector<16xf32>
        %add3A_426 = arith.addf %add3A_417, %get3A_425 : vector<16xf32>
        %mul3A_427 = arith.mulf %get3A_425, %get3A_425 : vector<16xf32>
        %add3A_428 = arith.addf %add3A_419, %mul3A_427 : vector<16xf32>
        %add3A_429 = arith.constant 5 : i32
        %add3A_430 = arith.addi %mul3A_388, %add3A_429 : i32
        %get3A_431 = arith.index_cast %add3A_430 : i32 to index
        %get3A_432 = arith.constant 0 : index
        %get3A_433 = tpu.vector_load %arg7[%get3A_431, %get3A_432] {strides = array<i32>} : memref<1664x16xf32, #tpu.memory_space<vmem>>, vector<1x16xf32>,
        %get3A_434 = vector.shape_cast %get3A_433 : vector<1x16xf32> to vector<16xf32>
        %add3A_435 = arith.addf %add3A_426, %get3A_434 : vector<16xf32>
        %mul3A_436 = arith.mulf %get3A_434, %get3A_434 : vector<16xf32>
        %add3A_437 = arith.addf %add3A_428, %mul3A_436 : vector<16xf32>
        %add3A_438 = arith.constant 6 : i32
        %add3A_439 = arith.addi %mul3A_388, %add3A_438 : i32
        %get3A_440 = arith.index_cast %add3A_439 : i32 to index
        %get3A_441 = arith.constant 0 : index
        %get3A_442 = tpu.vector_load %arg7[%get3A_440, %get3A_441] {strides = array<i32>} : memref<1664x16xf32, #tpu.memory_space<vmem>>, vector<1x16xf32>,
        %get3A_443 = vector.shape_cast %get3A_442 : vector<1x16xf32> to vector<16xf32>
        %add3A_444 = arith.addf %add3A_435, %get3A_443 : vector<16xf32>
        %mul3A_445 = arith.mulf %get3A_443, %get3A_443 : vector<16xf32>
        %add3A_446 = arith.addf %add3A_437, %mul3A_445 : vector<16xf32>
        %add3A_447 = arith.constant 7 : i32
        %add3A_448 = arith.addi %mul3A_388, %add3A_447 : i32
        %get3A_449 = arith.index_cast %add3A_448 : i32 to index
        %get3A_450 = arith.constant 0 : index
        %get3A_451 = tpu.vector_load %arg7[%get3A_449, %get3A_450] {strides = array<i32>} : memref<1664x16xf32, #tpu.memory_space<vmem>>, vector<1x16xf32>,
        %get3A_452 = vector.shape_cast %get3A_451 : vector<1x16xf32> to vector<16xf32>
        %add3A_453 = arith.addf %add3A_444, %get3A_452 : vector<16xf32>
        %mul3A_454 = arith.mulf %get3A_452, %get3A_452 : vector<16xf32>
        %add3A_455 = arith.addf %add3A_446, %mul3A_454 : vector<16xf32>
        %add3A_456 = arith.constant 8 : i32
        %add3A_457 = arith.addi %mul3A_388, %add3A_456 : i32
        %get3A_458 = arith.index_cast %add3A_457 : i32 to index
        %get3A_459 = arith.constant 0 : index
        %get3A_460 = tpu.vector_load %arg7[%get3A_458, %get3A_459] {strides = array<i32>} : memref<1664x16xf32, #tpu.memory_space<vmem>>, vector<1x16xf32>,
        %get3A_461 = vector.shape_cast %get3A_460 : vector<1x16xf32> to vector<16xf32>
        %add3A_462 = arith.addf %add3A_453, %get3A_461 : vector<16xf32>
        %mul3A_463 = arith.mulf %get3A_461, %get3A_461 : vector<16xf32>
        %add3A_464 = arith.addf %add3A_455, %mul3A_463 : vector<16xf32>
        %add3A_465 = arith.constant 9 : i32
        %add3A_466 = arith.addi %mul3A_388, %add3A_465 : i32
        %get3A_467 = arith.index_cast %add3A_466 : i32 to index
        %get3A_468 = arith.constant 0 : index
        %get3A_469 = tpu.vector_load %arg7[%get3A_467, %get3A_468] {strides = array<i32>} : memref<1664x16xf32, #tpu.memory_space<vmem>>, vector<1x16xf32>,
        %get3A_470 = vector.shape_cast %get3A_469 : vector<1x16xf32> to vector<16xf32>
        %add3A_471 = arith.addf %add3A_462, %get3A_470 : vector<16xf32>
        %mul3A_472 = arith.mulf %get3A_470, %get3A_470 : vector<16xf32>
        %add3A_473 = arith.addf %add3A_464, %mul3A_472 : vector<16xf32>
        %add3A_474 = arith.constant 10 : i32
        %add3A_475 = arith.addi %mul3A_388, %add3A_474 : i32
        %get3A_476 = arith.index_cast %add3A_475 : i32 to index
        %get3A_477 = arith.constant 0 : index
        %get3A_478 = tpu.vector_load %arg7[%get3A_476, %get3A_477] {strides = array<i32>} : memref<1664x16xf32, #tpu.memory_space<vmem>>, vector<1x16xf32>,
        %get3A_479 = vector.shape_cast %get3A_478 : vector<1x16xf32> to vector<16xf32>
        %add3A_480 = arith.addf %add3A_471, %get3A_479 : vector<16xf32>
        %mul3A_481 = arith.mulf %get3A_479, %get3A_479 : vector<16xf32>
        %add3A_482 = arith.addf %add3A_473, %mul3A_481 : vector<16xf32>
        %add3A_483 = arith.constant 11 : i32
        %add3A_484 = arith.addi %mul3A_388, %add3A_483 : i32
        %get3A_485 = arith.index_cast %add3A_484 : i32 to index
        %get3A_486 = arith.constant 0 : index
        %get3A_487 = tpu.vector_load %arg7[%get3A_485, %get3A_486] {strides = array<i32>} : memref<1664x16xf32, #tpu.memory_space<vmem>>, vector<1x16xf32>,
        %get3A_488 = vector.shape_cast %get3A_487 : vector<1x16xf32> to vector<16xf32>
        %add3A_489 = arith.addf %add3A_480, %get3A_488 : vector<16xf32>
        %mul3A_490 = arith.mulf %get3A_488, %get3A_488 : vector<16xf32>
        %add3A_491 = arith.addf %add3A_482, %mul3A_490 : vector<16xf32>
        %add3A_492 = arith.constant 12 : i32
        %add3A_493 = arith.addi %mul3A_388, %add3A_492 : i32
        %get3A_494 = arith.index_cast %add3A_493 : i32 to index
        %get3A_495 = arith.constant 0 : index
        %get3A_496 = tpu.vector_load %arg7[%get3A_494, %get3A_495] {strides = array<i32>} : memref<1664x16xf32, #tpu.memory_space<vmem>>, vector<1x16xf32>,
        %get3A_497 = vector.shape_cast %get3A_496 : vector<1x16xf32> to vector<16xf32>
        %add3A_498 = arith.addf %add3A_489, %get3A_497 : vector<16xf32>
        %mul3A_499 = arith.mulf %get3A_497, %get3A_497 : vector<16xf32>
        %add3A_500 = arith.addf %add3A_491, %mul3A_499 : vector<16xf32>
        %add3A_501 = arith.constant 13 : i32
        %add3A_502 = arith.addi %mul3A_388, %add3A_501 : i32
        %get3A_503 = arith.index_cast %add3A_502 : i32 to index
        %get3A_504 = arith.constant 0 : index
        %get3A_505 = tpu.vector_load %arg7[%get3A_503, %get3A_504] {strides = array<i32>} : memref<1664x16xf32, #tpu.memory_space<vmem>>, vector<1x16xf32>,
        %get3A_506 = vector.shape_cast %get3A_505 : vector<1x16xf32> to vector<16xf32>
        %add3A_507 = arith.addf %add3A_498, %get3A_506 : vector<16xf32>
        %mul3A_508 = arith.mulf %get3A_506, %get3A_506 : vector<16xf32>
        %add3A_509 = arith.addf %add3A_500, %mul3A_508 : vector<16xf32>
        %add3A_510 = arith.constant 14 : i32
        %add3A_511 = arith.addi %mul3A_388, %add3A_510 : i32
        %get3A_512 = arith.index_cast %add3A_511 : i32 to index
        %get3A_513 = arith.constant 0 : index
        %get3A_514 = tpu.vector_load %arg7[%get3A_512, %get3A_513] {strides = array<i32>} : memref<1664x16xf32, #tpu.memory_space<vmem>>, vector<1x16xf32>,
        %get3A_515 = vector.shape_cast %get3A_514 : vector<1x16xf32> to vector<16xf32>
        %add3A_516 = arith.addf %add3A_507, %get3A_515 : vector<16xf32>
        %mul3A_517 = arith.mulf %get3A_515, %get3A_515 : vector<16xf32>
        %add3A_518 = arith.addf %add3A_509, %mul3A_517 : vector<16xf32>
        %add3A_519 = arith.constant 15 : i32
        %add3A_520 = arith.addi %mul3A_388, %add3A_519 : i32
        %get3A_521 = arith.index_cast %add3A_520 : i32 to index
        %get3A_522 = arith.constant 0 : index
        %get3A_523 = tpu.vector_load %arg7[%get3A_521, %get3A_522] {strides = array<i32>} : memref<1664x16xf32, #tpu.memory_space<vmem>>, vector<1x16xf32>,
        %get3A_524 = vector.shape_cast %get3A_523 : vector<1x16xf32> to vector<16xf32>
        %add3A_525 = arith.addf %add3A_516, %get3A_524 : vector<16xf32>
        %mul3A_526 = arith.mulf %get3A_524, %get3A_524 : vector<16xf32>
        %add3A_527 = arith.addf %add3A_518, %mul3A_526 : vector<16xf32>
        %add3A_528 = arith.constant 16 : i32
        %add3A_529 = arith.addi %mul3A_388, %add3A_528 : i32
        %get3A_530 = arith.index_cast %add3A_529 : i32 to index
        %get3A_531 = arith.constant 0 : index
        %get3A_532 = tpu.vector_load %arg7[%get3A_530, %get3A_531] {strides = array<i32>} : memref<1664x16xf32, #tpu.memory_space<vmem>>, vector<1x16xf32>,
        %get3A_533 = vector.shape_cast %get3A_532 : vector<1x16xf32> to vector<16xf32>
        %add3A_534 = arith.addf %add3A_525, %get3A_533 : vector<16xf32>
        %mul3A_535 = arith.mulf %get3A_533, %get3A_533 : vector<16xf32>
        %add3A_536 = arith.addf %add3A_527, %mul3A_535 : vector<16xf32>
        %add3A_537 = arith.constant 17 : i32
        %add3A_538 = arith.addi %mul3A_388, %add3A_537 : i32
        %get3A_539 = arith.index_cast %add3A_538 : i32 to index
        %get3A_540 = arith.constant 0 : index
        %get3A_541 = tpu.vector_load %arg7[%get3A_539, %get3A_540] {strides = array<i32>} : memref<1664x16xf32, #tpu.memory_space<vmem>>, vector<1x16xf32>,
        %get3A_542 = vector.shape_cast %get3A_541 : vector<1x16xf32> to vector<16xf32>
        %add3A_543 = arith.addf %add3A_534, %get3A_542 : vector<16xf32>
        %mul3A_544 = arith.mulf %get3A_542, %get3A_542 : vector<16xf32>
        %add3A_545 = arith.addf %add3A_536, %mul3A_544 : vector<16xf32>
        %add3A_546 = arith.constant 18 : i32
        %add3A_547 = arith.addi %mul3A_388, %add3A_546 : i32
        %get3A_548 = arith.index_cast %add3A_547 : i32 to index
        %get3A_549 = arith.constant 0 : index
        %get3A_550 = tpu.vector_load %arg7[%get3A_548, %get3A_549] {strides = array<i32>} : memref<1664x16xf32, #tpu.memory_space<vmem>>, vector<1x16xf32>,
        %get3A_551 = vector.shape_cast %get3A_550 : vector<1x16xf32> to vector<16xf32>
        %add3A_552 = arith.addf %add3A_543, %get3A_551 : vector<16xf32>
        %mul3A_553 = arith.mulf %get3A_551, %get3A_551 : vector<16xf32>
        %add3A_554 = arith.addf %add3A_545, %mul3A_553 : vector<16xf32>
        %add3A_555 = arith.constant 19 : i32
        %add3A_556 = arith.addi %mul3A_388, %add3A_555 : i32
        %get3A_557 = arith.index_cast %add3A_556 : i32 to index
        %get3A_558 = arith.constant 0 : index
        %get3A_559 = tpu.vector_load %arg7[%get3A_557, %get3A_558] {strides = array<i32>} : memref<1664x16xf32, #tpu.memory_space<vmem>>, vector<1x16xf32>,
        %get3A_560 = vector.shape_cast %get3A_559 : vector<1x16xf32> to vector<16xf32>
        %add3A_561 = arith.addf %add3A_552, %get3A_560 : vector<16xf32>
        %mul3A_562 = arith.mulf %get3A_560, %get3A_560 : vector<16xf32>
        %add3A_563 = arith.addf %add3A_554, %mul3A_562 : vector<16xf32>
        %add3A_564 = arith.constant 20 : i32
        %add3A_565 = arith.addi %mul3A_388, %add3A_564 : i32
        %get3A_566 = arith.index_cast %add3A_565 : i32 to index
        %get3A_567 = arith.constant 0 : index
        %get3A_568 = tpu.vector_load %arg7[%get3A_566, %get3A_567] {strides = array<i32>} : memref<1664x16xf32, #tpu.memory_space<vmem>>, vector<1x16xf32>,
        %get3A_569 = vector.shape_cast %get3A_568 : vector<1x16xf32> to vector<16xf32>
        %add3A_570 = arith.addf %add3A_561, %get3A_569 : vector<16xf32>
        %mul3A_571 = arith.mulf %get3A_569, %get3A_569 : vector<16xf32>
        %add3A_572 = arith.addf %add3A_563, %mul3A_571 : vector<16xf32>
        %add3A_573 = arith.constant 21 : i32
        %add3A_574 = arith.addi %mul3A_388, %add3A_573 : i32
        %get3A_575 = arith.index_cast %add3A_574 : i32 to index
        %get3A_576 = arith.constant 0 : index
        %get3A_577 = tpu.vector_load %arg7[%get3A_575, %get3A_576] {strides = array<i32>} : memref<1664x16xf32, #tpu.memory_space<vmem>>, vector<1x16xf32>,
        %get3A_578 = vector.shape_cast %get3A_577 : vector<1x16xf32> to vector<16xf32>
        %add3A_579 = arith.addf %add3A_570, %get3A_578 : vector<16xf32>
        %mul3A_580 = arith.mulf %get3A_578, %get3A_578 : vector<16xf32>
        %add3A_581 = arith.addf %add3A_572, %mul3A_580 : vector<16xf32>
        %add3A_582 = arith.constant 22 : i32
        %add3A_583 = arith.addi %mul3A_388, %add3A_582 : i32
        %get3A_584 = arith.index_cast %add3A_583 : i32 to index
        %get3A_585 = arith.constant 0 : index
        %get3A_586 = tpu.vector_load %arg7[%get3A_584, %get3A_585] {strides = array<i32>} : memref<1664x16xf32, #tpu.memory_space<vmem>>, vector<1x16xf32>,
        %get3A_587 = vector.shape_cast %get3A_586 : vector<1x16xf32> to vector<16xf32>
        %add3A_588 = arith.addf %add3A_579, %get3A_587 : vector<16xf32>
        %mul3A_589 = arith.mulf %get3A_587, %get3A_587 : vector<16xf32>
        %add3A_590 = arith.addf %add3A_581, %mul3A_589 : vector<16xf32>
        %add3A_591 = arith.constant 23 : i32
        %add3A_592 = arith.addi %mul3A_388, %add3A_591 : i32
        %get3A_593 = arith.index_cast %add3A_592 : i32 to index
        %get3A_594 = arith.constant 0 : index
        %get3A_595 = tpu.vector_load %arg7[%get3A_593, %get3A_594] {strides = array<i32>} : memref<1664x16xf32, #tpu.memory_space<vmem>>, vector<1x16xf32>,
        %get3A_596 = vector.shape_cast %get3A_595 : vector<1x16xf32> to vector<16xf32>
        %add3A_597 = arith.addf %add3A_588, %get3A_596 : vector<16xf32>
        %mul3A_598 = arith.mulf %get3A_596, %get3A_596 : vector<16xf32>
        %add3A_599 = arith.addf %add3A_590, %mul3A_598 : vector<16xf32>
        %add3A_600 = arith.constant 24 : i32
        %add3A_601 = arith.addi %mul3A_388, %add3A_600 : i32
        %get3A_602 = arith.index_cast %add3A_601 : i32 to index
        %get3A_603 = arith.constant 0 : index
        %get3A_604 = tpu.vector_load %arg7[%get3A_602, %get3A_603] {strides = array<i32>} : memref<1664x16xf32, #tpu.memory_space<vmem>>, vector<1x16xf32>,
        %get3A_605 = vector.shape_cast %get3A_604 : vector<1x16xf32> to vector<16xf32>
        %add3A_606 = arith.addf %add3A_597, %get3A_605 : vector<16xf32>
        %mul3A_607 = arith.mulf %get3A_605, %get3A_605 : vector<16xf32>
        %add3A_608 = arith.addf %add3A_599, %mul3A_607 : vector<16xf32>
        %add3A_609 = arith.constant 25 : i32
        %add3A_610 = arith.addi %mul3A_388, %add3A_609 : i32
        %get3A_611 = arith.index_cast %add3A_610 : i32 to index
        %get3A_612 = arith.constant 0 : index
        %get3A_613 = tpu.vector_load %arg7[%get3A_611, %get3A_612] {strides = array<i32>} : memref<1664x16xf32, #tpu.memory_space<vmem>>, vector<1x16xf32>,
        %get3A_614 = vector.shape_cast %get3A_613 : vector<1x16xf32> to vector<16xf32>
        %add3A_615 = arith.addf %add3A_606, %get3A_614 : vector<16xf32>
        %mul3A_616 = arith.mulf %get3A_614, %get3A_614 : vector<16xf32>
        %add3A_617 = arith.addf %add3A_608, %mul3A_616 : vector<16xf32>
        %get3A_618 = arith.index_cast %mul3A_388 : i32 to index
        %get3A_619 = tpu.vector_load %arg8[%get3A_618] {strides = array<i32>} : memref<1680xf32, #tpu.memory_space<vmem>>, vector<16xf32>,
        %get3A_620 = vector.shape_cast %get3A_619 : vector<16xf32> to vector<16xf32>
        %add3A_621 = arith.constant 16 : i32
        %add3A_622 = arith.addi %mul3A_388, %add3A_621 : i32
        %get3A_623 = arith.index_cast %add3A_622 : i32 to index
        %get3A_624 = tpu.vector_load %arg8[%get3A_623] {strides = array<i32>} : memref<1680xf32, #tpu.memory_space<vmem>>, vector<16xf32>,
        %get3A_625 = vector.shape_cast %get3A_624 : vector<16xf32> to vector<16xf32>
        %jit3A = arith.constant 0.000000e+00 : f32
        %broadcast_in_dim3A = vector.broadcast %jit3A : f32 to vector<16xf32>
        %select_n3A = arith.select %lt3A_2, %get3A_625, %broadcast_in_dim3A : vector<16xi1>, vector<16xf32>
        %mul3A_626 = arith.mulf %add3A_615, %add3A_615 : vector<16xf32>
        %sub3A = arith.subf %mul3A_626, %add3A_617 : vector<16xf32>
        %mul3A_627 = arith.constant 5.000000e-01 : f32
        %mul3A_628 = vector.broadcast %mul3A_627 : f32 to vector<16xf32>
        %mul3A_629 = arith.mulf %sub3A, %mul3A_628 : vector<16xf32>
        %add3A_630 = arith.addf %mul3A_629, %get3A_620 : vector<16xf32>
        %add3A_631 = arith.addf %add3A_630, %select_n3A : vector<16xf32>
        %mul3A_632 = arith.constant 16 : i32
        %mul3A_633 = arith.muli %scan3A_386, %mul3A_632 : i32
        %swap3A = arith.index_cast %mul3A_633 : i32 to index
        %swap3A_634 = tpu.vector_load %arg9[%swap3A] {strides = array<i32>} : memref<1024xf32, #tpu.memory_space<vmem>>, vector<16xf32>,
        %swap3A_635 = vector.shape_cast %swap3A_634 : vector<16xf32> to vector<16xf32>
        %swap3A_636 = vector.shape_cast %add3A_631 : vector<16xf32> to vector<16xf32>
        tpu.vector_store %arg9[%swap3A], %swap3A_636 {strides = array<i32>} : memref<1024xf32, #tpu.memory_space<vmem>>, vector<16xf32>,
      }
      %scan3A_383 = arith.constant 64 : i32
      %mul3A_384 = arith.constant 16 : i32
      %mul3A_385 = arith.muli %add3A_13, %mul3A_384 : i32
      "tpu.region"() ({
        %run_scoped3A = tpu.sem_alloc : memref<!tpu.dma_semaphore, #tpu.memory_space<semaphore_mem>>
        %dma_start3A_386 = tpu.memref_slice %arg5[%mul3A_385] : memref<262144xf32, #tpu.memory_space<hbm>> -> memref<1024xf32, #tpu.memory_space<hbm>>
        %dma_start3A_387 = tpu.memref_slice %arg5[%mul3A_385] : memref<262144xf32, #tpu.memory_space<hbm>> -> memref<1024xf32, #tpu.memory_space<hbm>>
        tpu.enqueue_dma source(%arg9 : memref<1024xf32, #tpu.memory_space<vmem>>) target(%dma_start3A_387 : memref<1024xf32, #tpu.memory_space<hbm>>) target_semaphore(%run_scoped3A : memref<!tpu.dma_semaphore, #tpu.memory_space<semaphore_mem>>)
        %dma_wait3A_388 = tpu.memref_slice %arg5[%mul3A_385] : memref<262144xf32, #tpu.memory_space<hbm>> -> memref<1024xf32, #tpu.memory_space<hbm>>
        %dma_wait3A_389 = tpu.memref_slice %arg5[%mul3A_385] : memref<262144xf32, #tpu.memory_space<hbm>> -> memref<1024xf32, #tpu.memory_space<hbm>>
        tpu.wait_dma2 semaphore(%run_scoped3A : memref<!tpu.dma_semaphore, #tpu.memory_space<semaphore_mem>>) src(%arg9 : memref<1024xf32, #tpu.memory_space<vmem>>) dst(%dma_wait3A_389 : memref<1024xf32, #tpu.memory_space<hbm>>)
        tpu.yield
      }) : () -> ()
    }
    %scan3A_7 = arith.constant 8 : i32
    return
  }
}

module attributes {stable_mosaic.version = 14 : i64} {
  func.func @_fm_tc_body(%arg0: memref<2048x128xf32, #tpu.memory_space<vmem>>, %arg1: memref<1x1xf32, #tpu.memory_space<vmem>>, %arg2: memref<2048x8xf32, #tpu.memory_space<vmem>>) attributes {dimension_semantics = [], scalar_prefetch = 0 : i64, scratch_operands = 0 : i64, tpu.core_type = #tpu.core_type<tc>} {
    %iota3A = tpu.iota {dimensions = array<i32: 0>} : vector<128x8xi32>
    %jit3A = arith.constant 16 : i32
    %div3A = vector.broadcast %jit3A : i32 to vector<128x8xi32>
    %div3A_0 = arith.divsi %iota3A, %div3A : vector<128x8xi32>
    %sign3A = arith.constant 0 : i32
    %sign3A_1 = vector.broadcast %sign3A : i32 to vector<128x8xi32>
    %sign3A_2 = arith.cmpi sgt, %iota3A, %sign3A_1 : vector<128x8xi32>
    %sign3A_3 = arith.extui %sign3A_2 : vector<128x8xi1> to vector<128x8xi32>
    %sign3A_4 = arith.constant 0 : i32
    %sign3A_5 = vector.broadcast %sign3A_4 : i32 to vector<128x8xi32>
    %sign3A_6 = arith.cmpi slt, %iota3A, %sign3A_5 : vector<128x8xi32>
    %sign3A_7 = arith.extui %sign3A_6 : vector<128x8xi1> to vector<128x8xi32>
    %sign3A_8 = arith.subi %sign3A_3, %sign3A_7 : vector<128x8xi32>
    %sign3A_9 = arith.constant 0 : i32
    %sign3A_10 = arith.cmpi sgt, %jit3A, %sign3A_9 : i32
    %sign3A_11 = arith.extui %sign3A_10 : i1 to i32
    %sign3A_12 = arith.constant 0 : i32
    %sign3A_13 = arith.cmpi slt, %jit3A, %sign3A_12 : i32
    %sign3A_14 = arith.extui %sign3A_13 : i1 to i32
    %sign3A_15 = arith.subi %sign3A_11, %sign3A_14 : i32
    %ne3A = vector.broadcast %sign3A_15 : i32 to vector<128x8xi32>
    %ne3A_16 = arith.cmpi ne, %sign3A_8, %ne3A : vector<128x8xi32>
    %rem3A = vector.broadcast %jit3A : i32 to vector<128x8xi32>
    %rem3A_17 = arith.remsi %iota3A, %rem3A : vector<128x8xi32>
    %ne3A_18 = arith.constant 0 : i32
    %ne3A_19 = vector.broadcast %ne3A_18 : i32 to vector<128x8xi32>
    %ne3A_20 = arith.cmpi ne, %rem3A_17, %ne3A_19 : vector<128x8xi32>
    %and3A = arith.andi %ne3A_16, %ne3A_20 : vector<128x8xi1>
    %sub3A = arith.constant 1 : i32
    %sub3A_21 = vector.broadcast %sub3A : i32 to vector<128x8xi32>
    %sub3A_22 = arith.subi %div3A_0, %sub3A_21 : vector<128x8xi32>
    %select_n3A = arith.select %and3A, %sub3A_22, %div3A_0 : vector<128x8xi1>, vector<128x8xi32>
    %iota3A_23 = tpu.iota {dimensions = array<i32: 1>} : vector<128x8xi32>
    %eq3A = arith.cmpi eq, %select_n3A, %iota3A_23 : vector<128x8xi32>
    %get3A = arith.constant 0 : index
    %get3A_24 = arith.constant 0 : index
    %get3A_25 = vector.load %arg0[%get3A, %get3A_24] : memref<2048x128xf32, #tpu.memory_space<vmem>>, vector<2048x128xf32>
    %convert_element_type3A = arith.extui %eq3A : vector<128x8xi1> to vector<128x8xi32>
    %convert_element_type3A_26 = arith.sitofp %convert_element_type3A : vector<128x8xi32> to vector<128x8xf32>
    %dot_general3A = arith.constant dense<0.000000e+00> : vector<2048x8xf32>
    %dot_general3A_27 = tpu.matmul %get3A_25, %convert_element_type3A_26, %dot_general3A {dimension_numbers = #tpu.dot_dimension_numbers<[1], [0], [0], [1], [0, 0, 1, 1], [], []>, transpose_lhs_hint = false} : vector<2048x128xf32>, vector<128x8xf32>, vector<2048x8xf32> -> vector<2048x8xf32>
    %get3A_28 = arith.constant 0 : index
    %get3A_29 = arith.constant 0 : index
    %get3A_30 = vector.load %arg1[%get3A_28, %get3A_29] : memref<1x1xf32, #tpu.memory_space<vmem>>, vector<1x1xf32>
    %add3A = vector.broadcast %get3A_30 : vector<1x1xf32> to vector<2048x8xf32>
    %add3A_31 = arith.addf %dot_general3A_27, %add3A : vector<2048x8xf32>
    %swap3A = arith.constant 0 : index
    %swap3A_32 = arith.constant 0 : index
    %swap3A_33 = vector.load %arg2[%swap3A, %swap3A_32] : memref<2048x8xf32, #tpu.memory_space<vmem>>, vector<2048x8xf32>
    tpu.vector_store %arg2[%swap3A, %swap3A_32], %add3A_31 {strides = array<i32>} : memref<2048x8xf32, #tpu.memory_space<vmem>>, vector<2048x8xf32>,
    return
  }
}

</mosaic_0001>

<sc_bundles>
// kernel: _fm.4.cloned.1.call-start
scs
__scs_entry_jumppad:
0x0: {  	(pc) =	sbr.rel $0x88, $3  }
0x1: {  	(tag) =	ssettag $0x0;
	lr =	simm.s32 $0x1  }
0x2: {  	[smem:$0x3F9D] =	sst lr;
	_ =	strace $0xD0000000  }
0x3: {  	_ = 	snop  }
0x4: {  	_ = 	snop  }
0x5: {  	_ = 	snop  }
0x6: {  	_ = 	snop  }
0x7: {  	_ = 	snop  }
__scs_overlays_trampoline_lowered:
0x8: {  	[smem:$0x3FAC] =	sst s0  }
0x9: {  	[smem:$0x3FAD] =	sst s1  }
0xa: {  	[smem:$0x3FAE] =	sst s2  }
0xb: {  	[smem:$0x3FAF] =	sst s3  }
0xc: {  	[smem:$0x3FB0] =	sst s4  }
0xd: {  	[smem:$0x3FB1] =	sst s5  }
0xe: {  	[smem:$0x3FB2] =	sst s6  }
0xf: {  	[smem:$0x3FB3] =	sst s7  }
0x10: {  	[smem:$0x3FB4] =	sst s8  }
0x11: {  	[smem:$0x3FB5] =	sst s9;
	s0 =	simm.s32 @!p0 $0x0  }
0x12: {  	s1 =	sld [smem:$0x3F9B];
	s0 =	simm.s32 @p0 $0x1  }
0x13: {  	[smem:$0x3FB6] =	sst s0;
	s0 =	simm.s32 @!p1 $0x0  }
0x14: {  	s2 =	sld [smem:$0x3F9A];
	s0 =	simm.s32 @p1 $0x1  }
0x15: {  	[smem:$0x3FB7] =	sst s0;
	s0 =	simm.s32 @!p2 $0x0  }
0x16: {  	s3 =	sld [smem:$0x3FDB];
	s0 =	simm.s32 @p2 $0x1  }
0x17: {  	s4 =	simm.s32 $0x1BF5;
	[smem:$0x3FB9] =	sst s0  }
0x18: {  	s0 =	sld [smem:$0x3F9C];
	_ =	swait.ge [sflag:s4], $0x0  }
0x19: {  	s7 =	sld [smem:$0x3F9D]  }
0x1a: {  	s8 =	sadd.s32 $0xFFFFE003, lr  }
0x1b: {  	s9 =	sadd.s32 $0xFFFFFEF7, lr;
	s5 =	simm.s32 $0xFFFFFFFF;
	p2 =	slt.u32 s8, $0xFFFFF086  }
0x1c: {  	p1 =	slt.u32 s9, $0xF7A;
	s5 =	simm.s32 @!p2 $0x0  }
0x1d: {  	s5 =	simm.s32 @p1 $0x1;
	p0 =	seq.s32 s7, s2  }
0x1e: {  	s7 =	smul.u32 @!p0 $0xF7A, s2;
	p2 =	seq.s32 @!p0 s5, $0x0  }
0x1f: {  	s9 =	smul.u32 $0xF7A, s1;
	s8 =	simm.s32 @!p0 $0x1BF5;
	p2 =	por !p2, p0  }
0x20: {  	[sflag:s8] =	ssyncset.s32 @!p0 $0xFFFFF086;
	s6 =	sadd.s32 @!p0 s3, s7;
	s7 =	simm.s32 @!p0 $0x108  }
0x21: {  	s3 =	sadd.s32 s3, s9;
	s6 =	sadd.s32 @!p0 $0x88, s6;
	s7 =	simm.s32 @p2 $0x1082  }
0x22: {  	[simem:s7], [sflag:s8] =	dma.local @!p0 [hbm:s6], $0xF7A  }
0x23: {  	s9 =	sor.u32 $0xD0000000, s2;
	s6 =	simm.s32 $0x108;
	_ =	swait.ge @!p0 [sflag:s8], $0x0  }
0x24: {  	s3 =	sadd.s32 $0x88, s3;
	s6 =	simm.s32 @!p1 $0x1082;
	[sflag:s4] =	ssyncset.s32 $0xFFFFF086  }
0x25: {  	[simem:s6], [sflag:s4] =	dma.local [hbm:s3], $0xF7A  }
0x26: {  	[smem:$0x3F9D] =	sst s1;
	(tag) =	ssettag s2;
	_ =	strace s9  }
0x27: {  	s1 =	sld [smem:$0x3FAD]  }
0x28: {  	s2 =	sld [smem:$0x3FAE]  }
0x29: {  	s4 =	sld [smem:$0x3FB0]  }
0x2a: {  	p0 =	seq.s32 s5, $0x0;
	s5 =	sld [smem:$0x3FB1]  }
0x2b: {  	s6 =	sld [smem:$0x3FB2]  }
0x2c: {  	s7 =	sld [smem:$0x3FB3]  }
0x2d: {  	s3 =	simm.s32 $0x108;
	s8 =	sld [smem:$0x3FB4]  }
0x2e: {  	s3 =	simm.s32 @!p0 $0x1082;
	s9 =	sld [smem:$0x3FB5]  }
0x2f: {  	lr =	sadd.s32 s0, s3;
	s0 =	sld [smem:$0x3FAC]  }
0x30: {  	s3 =	sld [smem:$0x3FAF]  }
0x31: {  	[smem:$0x3FB8] =	sst s10  }
0x32: {  	s10 =	sld [smem:$0x3FB6];
	_ =	sdelay $0x3  }
0x33: {  	p0 =	seq.s32 s10, $0x1;
	s10 =	sld [smem:$0x3FB8];
	_ =	sdelay $0x3  }
0x34: {  	[smem:$0x3FB8] =	sst s10  }
0x35: {  	s10 =	sld [smem:$0x3FB7];
	_ =	sdelay $0x3  }
0x36: {  	p1 =	seq.s32 s10, $0x1;
	s10 =	sld [smem:$0x3FB8];
	_ =	sdelay $0x3  }
0x37: {  	[smem:$0x3FB8] =	sst s10  }
0x38: {  	s10 =	sld [smem:$0x3FB9]  }
0x39: {  	_ = 	snop;
	(pc) =	sbr.ind lr, $3  }
0x3a: {  	_ = 	snop  }
0x3b: {  	_ = 	snop  }
0x3c: {  	p2 =	seq.s32 s10, $0x1;
	s10 =	sld [smem:$0x3FB8]  }
0x3d: {  	_ =	shalt  }
0x3e: {  	_ =	shalt  }
0x3f: {  	_ =	shalt  }
0x40: {  	_ =	shalt  }
0x41: {  	_ =	shalt  }
0x42: {  	_ =	shalt  }
0x43: {  	_ =	shalt  }
0x44: {  	_ =	shalt  }
0x45: {  	_ =	shalt  }
0x46: {  	_ =	shalt  }
0x47: {  	_ =	shalt  }
0x48: {  	_ =	shalt  }
0x49: {  	_ =	shalt  }
0x4a: {  	_ =	shalt  }
0x4b: {  	_ =	shalt  }
0x4c: {  	_ =	shalt  }
0x4d: {  	_ =	shalt  }
0x4e: {  	_ =	shalt  }
0x4f: {  	_ =	shalt  }
0x50: {  	_ =	shalt  }
0x51: {  	_ =	shalt  }
0x52: {  	_ =	shalt  }
0x53: {  	_ =	shalt  }
0x54: {  	_ =	shalt  }
0x55: {  	_ =	shalt  }
0x56: {  	_ =	shalt  }
0x57: {  	_ =	shalt  }
0x58: {  	_ =	shalt  }
0x59: {  	_ =	shalt  }
0x5a: {  	_ =	shalt  }
0x5b: {  	_ =	shalt  }
0x5c: {  	_ =	shalt  }
0x5d: {  	_ =	shalt  }
0x5e: {  	_ =	shalt  }
0x5f: {  	_ =	shalt  }
0x60: {  	_ =	shalt  }
0x61: {  	_ =	shalt  }
0x62: {  	_ =	shalt  }
0x63: {  	_ =	shalt  }
0x64: {  	_ =	shalt  }
0x65: {  	_ =	shalt  }
0x66: {  	_ =	shalt  }
0x67: {  	_ =	shalt  }
0x68: {  	_ =	shalt  }
0x69: {  	_ =	shalt  }
0x6a: {  	_ =	shalt  }
0x6b: {  	_ =	shalt  }
0x6c: {  	_ =	shalt  }
0x6d: {  	_ =	shalt  }
0x6e: {  	_ =	shalt  }
0x6f: {  	_ =	shalt  }
0x70: {  	_ =	shalt  }
0x71: {  	_ =	shalt  }
0x72: {  	_ =	shalt  }
0x73: {  	_ =	shalt  }
0x74: {  	_ =	shalt  }
0x75: {  	_ =	shalt  }
0x76: {  	_ =	shalt  }
0x77: {  	_ =	shalt  }
0x78: {  	_ =	shalt  }
0x79: {  	_ =	shalt  }
0x7a: {  	_ =	shalt  }
0x7b: {  	_ =	shalt  }
0x7c: {  	_ =	shalt  }
0x7d: {  	_ =	shalt  }
0x7e: {  	_ =	shalt  }
0x7f: {  	_ =	shalt  }
0x80: {  	_ =	shalt  }
0x81: {  	_ =	shalt  }
0x82: {  	_ =	shalt  }
0x83: {  	_ =	shalt  }
0x84: {  	_ =	shalt  }
0x85: {  	_ =	shalt  }
0x86: {  	_ =	shalt  }
0x87: {  	_ =	shalt  }
.Lfunc_end0:
.L_simem_size_0:
called_computation_lowered:
.L_overlay_start_0:
0x88: {  	s2 =	sld [smem:$0x3FD9]  }
0x89: {  	s3 =	sld [smem:$0x3FFE];
	_ =	sdelay $0x1  }
0x8a: {  	s1 =	srdreg.scid  }
0x8b: {  	s0 =	sand.u32 $0x1, s1  }
0x8c: {  	s17 =	sshll.u32 s0, $0xA;
	s2 =	sadd.s32 s3, s2  }
0x8d: {  	s2 =	sadd.s32 s2, s17  }
0x8e: {  	[smem:$0x3FC4] =	sst s2  }
0x8f: {  	_ = 	snop  }
0x90: {  	s2 =	sld [smem:$0x3FC9]  }
0x91: {  	s18 =	sld [smem:$0x3FC7];
	(tm) =	ssettm $0x1  }
0x92: {  	s4 =	sld [smem:$0x3FFB];
	_ =	sdelay $0x3  }
0x93: {  	_ =	strace s4  }
0x94: {  	s4 =	sld [smem:$0x3FFC];
	_ =	sdelay $0x3  }
0x95: {  	_ =	strace s4  }
0x96: {  	s4 =	sld [smem:$0x3FFD];
	_ =	sdelay $0x3  }
0x97: {  	_ =	strace s4  }
0x98: {  	_ =	strace $0x8FFFFFFF  }
0x99: {  	s19 =	sld [smem:$0x3FDB];
	_ =	sdelay $0x1  }
0x9a: {  	s5 =	simm.s32 $_scs_section_size  }
0x9b: {  	s6 =	simm.s32 $_size__tile_overlayer_lowered;
	s7 =	simm.s32 $_tile_overlayer_lowered  }
0x9c: {  	s22 =	simm.s32 $0x1BFF;
	s21 =	sshll.u32 s7, $0x1;
	s4 =	sadd.s32 s5, s19  }
0x9d: {  	s8 =	simm.s32 $0x0;
	s20 =	sshll.u32 s6, $0x1;
	s6 =	sadd.s32 s21, s4  }
0x9e: {  	[timem:s8], [sflag:s22] =	dma.local [hbm:s6], s20  }
0x9f: {  	_ =	swait.ge [sflag:s22], s20  }
0xa0: {  	s5 =	ssub.s32 $0x0, s20;
	[sflag:s22] =	ssyncset.done $0x0  }
0xa1: {  	[sflag:s22] =	ssyncadd.s32 s5;
	_ =	sdelay $0x1  }
0xa2: {  	s23 =	simm.s32 $0x1B8B  }
0xa3: {  	_ =	swait.ge [sflag:s23], $0x1  }
0xa4: {  	[sflag:s23] =	ssyncset.done $0x0  }
0xa5: {  	s25 =	simm.s32 $0x1B8E;
	s24 =	sld [smem:$0x3FFE];
	[sflag:s23] =	ssyncadd.s32 $0xFFFFFFFF  }
0xa6: {  	s26 =	simm.s32 $execute0_lowered;
	[smem:$0x3FD2] =	sst s25  }
0xa7: {  	s6 =	sshll.u32 s26, $0x1;
	_ =	strace $0x80000046;
	[dreg:$0x1] =	wrdreg $0xFFFFFFFF  }
0xa8: {  	s28 =	simm.s32 $_size_execute0_lowered;
	s4 =	sadd.s32 s4, s6;
	[dreg:$0x0] =	wrdreg $0x0  }
0xa9: {  	s6 =	sshll.u32 s28, $0x1;
	[dreg:$0x2] =	wrdreg s4  }
0xaa: {  	[dreg:$0x3] =	wrdreg s6  }
0xab: {  	[dreg:$0x4] =	wrdreg $0xC0  }
0xac: {  	_ =	task [dreg:s8], $0x5FFFF  }
0xad: {  	[dreg:$0x1] =	wrdreg $0xFFFFFFFF  }
0xae: {  	[dreg:$0x0] =	wrdreg $0x60  }
0xaf: {  	[dreg:$0x2] =	wrdreg s2  }
0xb0: {  	[dreg:$0x3] =	wrdreg s18  }
0xb1: {  	[dreg:$0x4] =	wrdreg s24  }
0xb2: {  	[dreg:$0x5] =	wrdreg $0x9  }
0xb3: {  	_ =	task.clear_ibuf [dreg:s8], $0x6FFFF;
	_ =	strace $0x90000046  }
0xb4: {  	s29 =	simm.s32 $0x9;
	_ =	strace $0x80000048  }
0xb5: {  	_ =	swait.ge [sflag:s29], $0x1  }
0xb6: {  	[sflag:s29] =	ssyncadd.s32 $0xFFFFFFFF  }
0xb7: {  	_ =	strace $0x90000048  }
0xb8: {  	_ =	sfence  }
0xb9: {  	s30 =	sld [smem:$0x0];
	_ =	sdelay $0x2  }
0xba: {  	s31 =	sshll.u32 s1, $0xD;
	s1 =	sshrl.u32 s1, $0x2  }
0xbb: {  	s3 =	sand.u32 $0x4000, s31;
	s1 =	sadd.s32 s1, s30  }
0xbc: {  	s0 =	sor.u32 s3, s0;
	s1 =	sshll.u32 s1, $0x11  }
0xbd: {  	s0 =	sor.u32 s1, s0  }
0xbe: {  	s0 =	sadd.s32 $0x8F2B, s0  }
0xbf: {  	[sflag:s0] =	ssyncadd.remote.s32 $0x1  }
0xc0: {  	_ =	sfence.sel $0xFFFF  }
0xc1: {  	[dreg:$0x0] =	wrdreg $0xFFFFFFFF;
	(pc) =	sbr.abs _section_cstart, $3  }
0xc2: {  	[dreg:$0x1] =	wrdreg $0xFFFFFFFF  }
0xc3: {  	_ =	task.clear_ibuf [dreg:s8], $0x2FFFF;
	_ =	strace $0x9FFFFFFF  }
0xc4: {  	(tm) =	ssettm $0x7FFFFFFF  }
0xc5: {  	_ =	shalt  }
tec
execute0_lowered:
.L_overlay_start_1:
0x0: {  	(tag) =	ssettag $0x1  }
0x1: {  	s2 =	rddreg [dreg:$0x1]  }
0x2: {  	s0 =	rddreg [dreg:$0x2];
	s3 =	simm.s32 $0x0;
	s1 =	srdreg.scid  }
0x3: {  	s7 =	stileid.u32;
	s9 =	simm.s32 $0x3;
	s10 =	simm.s32 $0x80  }
0x4: {  	s14 =	simm.s32 $0x100;
	s17 =	simm.s32 $0x180;
	s20 =	simm.s32 $0x200  }
0x5: {  	s23 =	simm.s32 $0x280;
	s30 =	simm.s32 $0x380;
	s11 =	simm.s32 $0x480  }
0x6: {  	s15 =	simm.s32 $0x500;
	s19 =	simm.s32 $0x580;
	s24 =	simm.s32 $0x600  }
0x7: {  	s25 =	simm.s32 $0x6680;
	s28 =	simm.s32 $0x7480;
	s29 =	simm.s32 $0x1  }
0x8: {  	s31 =	simm.s32 $0x2;
	s8 =	simm.s32 $0x0;
	s1 =	sand.u32 $0x1, s1  }
0x9: {  	[smem:$0x7FF] =	sst s3;
	s5 =	sadd.s32 $0xF42A00, s0;
	s4 =	ssub.s32 $0x2, s1  }
0xa: {  	s7 =	sshll.u32 s7, $0xA;
	s1 =	sshll.u32 s1, $0x9;
	s6 =	sshrl.u32 s4, $0x1  }
0xb: {  	_ =	strace $0x80000047;
	s7 =	sor.u32 s1, s7;
	s4 =	ssub.s32 s4, s6  }
0xc: {  	s6 =	sadd.s32 $0x600, s0;
	s0 =	simm.s32 $0x7510;
	s26 =	smax.u32 s4, $0x1  }
0xd: {  	vm0 =	vmmov $0x3ff;
	s4 =	simm.s32 $0x400;
	[dreg:$0x4] =	wrdreg s26;
	s26 =	simm.s32 $0x300  }
.LBB2_1:
0xe: {  	[dreg:$0x5] =	wrdreg s8;
	s8 =	simm.s32 $0x0  }
.LBB2_2:
0xf: {  	s1 =	sshll.u32 s8, $0x6  }
0x10: {  	s1 =	sadd.s32 s7, s1  }
0x11: {  	s12 =	smul.u32 $0x1A, s1;
	_ =	sdelay $0x1  }
0x12: {  	s13 =	rddreg [dreg:$0x0];
	s12 =	sshrl.u32 s12, $0x3  }
0x13: {  	s12 =	sadd.s32 s13, s12  }
0x14: {  	[tilespmem:s3], [sflag:$0x3] =	stream.linear.gather [hbm4b:s12+s3], $0x680, $0x38;
	[tilespmem:$0x7910] =	vst v63  }
0x15: {  	_ =	swait.ge [sflag:s9], $0x680  }
0x16: {  	[sflag:s9] =	ssyncset.done $0x0  }
0x17: {  	s13 =	simm.s32 $0x680;
	[sflag:s9] =	ssyncadd.s32 $0xFFFFF980  }
0x18: {  	[tilespmem:s13], [sflag:$0x1] =	stream.indirect.gather [hbm4b:s5+s10], $0x10, s3, s10, $0xb8;
	[tilespmem:$0x7910] =	vst v63  }
0x19: {  	s12 =	simm.s32 $0x6E80  }
0x1a: {  	[tilespmem:s12], [sflag:$0x2] =	stream.indirect.gather [hbm4b:s2+s10], $0x1, s3, s10, $0xb8;
	[tilespmem:$0x7910] =	vst v63  }
0x1b: {  	s16 =	simm.s32 $0xE80  }
0x1c: {  	[tilespmem:s16], [sflag:$0x1] =	stream.indirect.gather [hbm4b:s5+s10], $0x10, s10, s10, $0xb8;
	[tilespmem:$0x7910] =	vst v63  }
0x1d: {  	s18 =	simm.s32 $0x6F00  }
0x1e: {  	[tilespmem:s18], [sflag:$0x2] =	stream.indirect.gather [hbm4b:s2+s10], $0x1, s10, s10, $0xb8;
	[tilespmem:$0x7910] =	vst v63  }
0x1f: {  	s21 =	simm.s32 $0x1680  }
0x20: {  	[tilespmem:s21], [sflag:$0x1] =	stream.indirect.gather [hbm4b:s5+s10], $0x10, s14, s10, $0xb8;
	[tilespmem:$0x7910] =	vst v63  }
0x21: {  	s22 =	simm.s32 $0x6F80  }
0x22: {  	[tilespmem:s22], [sflag:$0x2] =	stream.indirect.gather [hbm4b:s2+s10], $0x1, s14, s10, $0xb8;
	[tilespmem:$0x7910] =	vst v63  }
0x23: {  	s16 =	simm.s32 $0x1E80  }
0x24: {  	[tilespmem:s16], [sflag:$0x1] =	stream.indirect.gather [hbm4b:s5+s10], $0x10, s17, s10, $0xb8;
	[tilespmem:$0x7910] =	vst v63  }
0x25: {  	s18 =	simm.s32 $0x7000  }
0x26: {  	[tilespmem:s18], [sflag:$0x2] =	stream.indirect.gather [hbm4b:s2+s10], $0x1, s17, s10, $0xb8;
	[tilespmem:$0x7910] =	vst v63  }
0x27: {  	s21 =	simm.s32 $0x2680  }
0x28: {  	[tilespmem:s21], [sflag:$0x1] =	stream.indirect.gather [hbm4b:s5+s10], $0x10, s20, s10, $0xb8;
	[tilespmem:$0x7910] =	vst v63  }
0x29: {  	s22 =	simm.s32 $0x7080  }
0x2a: {  	[tilespmem:s22], [sflag:$0x2] =	stream.indirect.gather [hbm4b:s2+s10], $0x1, s20, s10, $0xb8;
	[tilespmem:$0x7910] =	vst v63  }
0x2b: {  	s16 =	simm.s32 $0x2E80  }
0x2c: {  	[tilespmem:s16], [sflag:$0x1] =	stream.indirect.gather [hbm4b:s5+s10], $0x10, s23, s10, $0xb8;
	[tilespmem:$0x7910] =	vst v63  }
0x2d: {  	s18 =	simm.s32 $0x7100  }
0x2e: {  	[tilespmem:s18], [sflag:$0x2] =	stream.indirect.gather [hbm4b:s2+s10], $0x1, s23, s10, $0xb8;
	[tilespmem:$0x7910] =	vst v63  }
0x2f: {  	s21 =	simm.s32 $0x3680  }
0x30: {  	[tilespmem:s21], [sflag:$0x1] =	stream.indirect.gather [hbm4b:s5+s10], $0x10, s26, s10, $0xb8;
	[tilespmem:$0x7910] =	vst v63  }
0x31: {  	s22 =	simm.s32 $0x7180  }
0x32: {  	[tilespmem:s22], [sflag:$0x2] =	stream.indirect.gather [hbm4b:s2+s10], $0x1, s26, s10, $0xb8;
	[tilespmem:$0x7910] =	vst v63  }
0x33: {  	s16 =	simm.s32 $0x3E80  }
0x34: {  	[tilespmem:s16], [sflag:$0x1] =	stream.indirect.gather [hbm4b:s5+s10], $0x10, s30, s10, $0xb8;
	[tilespmem:$0x7910] =	vst v63  }
0x35: {  	s18 =	simm.s32 $0x7200  }
0x36: {  	[tilespmem:s18], [sflag:$0x2] =	stream.indirect.gather [hbm4b:s2+s10], $0x1, s30, s10, $0xb8;
	[tilespmem:$0x7910] =	vst v63  }
0x37: {  	s21 =	simm.s32 $0x4680  }
0x38: {  	[tilespmem:s21], [sflag:$0x1] =	stream.indirect.gather [hbm4b:s5+s10], $0x10, s4, s10, $0xb8;
	[tilespmem:$0x7910] =	vst v63  }
0x39: {  	s22 =	simm.s32 $0x7280  }
0x3a: {  	[tilespmem:s22], [sflag:$0x2] =	stream.indirect.gather [hbm4b:s2+s10], $0x1, s4, s10, $0xb8;
	[tilespmem:$0x7910] =	vst v63  }
0x3b: {  	s16 =	simm.s32 $0x4E80  }
0x3c: {  	[tilespmem:s16], [sflag:$0x1] =	stream.indirect.gather [hbm4b:s5+s10], $0x10, s11, s10, $0xb8;
	[tilespmem:$0x7910] =	vst v63  }
0x3d: {  	s18 =	simm.s32 $0x7300  }
0x3e: {  	[tilespmem:s18], [sflag:$0x2] =	stream.indirect.gather [hbm4b:s2+s10], $0x1, s11, s10, $0xb8;
	[tilespmem:$0x7910] =	vst v63  }
0x3f: {  	s21 =	simm.s32 $0x5680  }
0x40: {  	[tilespmem:s21], [sflag:$0x1] =	stream.indirect.gather [hbm4b:s5+s10], $0x10, s15, s10, $0xb8;
	[tilespmem:$0x7910] =	vst v63  }
0x41: {  	s22 =	simm.s32 $0x7380  }
0x42: {  	[tilespmem:s22], [sflag:$0x2] =	stream.indirect.gather [hbm4b:s2+s10], $0x1, s15, s10, $0xb8;
	[tilespmem:$0x7910] =	vst v63  }
0x43: {  	s16 =	simm.s32 $0x5E80  }
0x44: {  	[tilespmem:s16], [sflag:$0x1] =	stream.indirect.gather [hbm4b:s5+s10], $0x10, s19, s10, $0xb8;
	[tilespmem:$0x7910] =	vst v63  }
0x45: {  	s18 =	simm.s32 $0x7400  }
0x46: {  	[tilespmem:s18], [sflag:$0x2] =	stream.indirect.gather [hbm4b:s2+s10], $0x1, s19, s10, $0xb8;
	[tilespmem:$0x7910] =	vst v63  }
0x47: {  	_ = 	snop  }
0x48: {  	[tilespmem:s25], [sflag:$0x1] =	stream.indirect.gather [hbm4b:s5+s10], $0x10, s24, s10, $0xb8;
	[tilespmem:$0x7910] =	vst v63  }
0x49: {  	_ = 	snop  }
0x4a: {  	[tilespmem:s28], [sflag:$0x2] =	stream.indirect.gather [hbm4b:s2+s10], $0x1, s24, s10, $0xb8;
	[tilespmem:$0x7910] =	vst v63  }
0x4b: {  	_ =	swait.ge [sflag:s29], $0x800  }
0x4c: {  	[sflag:s29] =	ssyncset.done $0x0  }
0x4d: {  	[sflag:s29] =	ssyncadd.s32 $0xFFFFF800  }
0x4e: {  	_ =	swait.ge [sflag:s31], $0x80  }
0x4f: {  	[sflag:s31] =	ssyncset.done $0x0  }
0x50: {  	[sflag:s31] =	ssyncadd.s32 $0xFFFFFF80  }
0x51: {  	_ =	swait.ge [sflag:s29], $0x800  }
0x52: {  	[sflag:s29] =	ssyncset.done $0x0  }
0x53: {  	[sflag:s29] =	ssyncadd.s32 $0xFFFFF800  }
0x54: {  	_ =	swait.ge [sflag:s31], $0x80  }
0x55: {  	[sflag:s31] =	ssyncset.done $0x0  }
0x56: {  	[sflag:s31] =	ssyncadd.s32 $0xFFFFFF80  }
0x57: {  	_ =	swait.ge [sflag:s29], $0x800  }
0x58: {  	[sflag:s29] =	ssyncset.done $0x0  }
0x59: {  	[sflag:s29] =	ssyncadd.s32 $0xFFFFF800  }
0x5a: {  	_ =	swait.ge [sflag:s31], $0x80  }
0x5b: {  	[sflag:s31] =	ssyncset.done $0x0  }
0x5c: {  	[sflag:s31] =	ssyncadd.s32 $0xFFFFFF80  }
0x5d: {  	_ =	swait.ge [sflag:s29], $0x800  }
0x5e: {  	[sflag:s29] =	ssyncset.done $0x0  }
0x5f: {  	[sflag:s29] =	ssyncadd.s32 $0xFFFFF800  }
0x60: {  	_ =	swait.ge [sflag:s31], $0x80  }
0x61: {  	[sflag:s31] =	ssyncset.done $0x0  }
0x62: {  	[sflag:s31] =	ssyncadd.s32 $0xFFFFFF80  }
0x63: {  	_ =	swait.ge [sflag:s29], $0x800  }
0x64: {  	[sflag:s29] =	ssyncset.done $0x0  }
0x65: {  	[sflag:s29] =	ssyncadd.s32 $0xFFFFF800  }
0x66: {  	_ =	swait.ge [sflag:s31], $0x80  }
0x67: {  	[sflag:s31] =	ssyncset.done $0x0  }
0x68: {  	[sflag:s31] =	ssyncadd.s32 $0xFFFFFF80  }
0x69: {  	_ =	swait.ge [sflag:s29], $0x800  }
0x6a: {  	[sflag:s29] =	ssyncset.done $0x0  }
0x6b: {  	[sflag:s29] =	ssyncadd.s32 $0xFFFFF800  }
0x6c: {  	_ =	swait.ge [sflag:s31], $0x80  }
0x6d: {  	[sflag:s31] =	ssyncset.done $0x0  }
0x6e: {  	[sflag:s31] =	ssyncadd.s32 $0xFFFFFF80  }
0x6f: {  	_ =	swait.ge [sflag:s29], $0x800  }
0x70: {  	[sflag:s29] =	ssyncset.done $0x0  }
0x71: {  	[sflag:s29] =	ssyncadd.s32 $0xFFFFF800  }
0x72: {  	_ =	swait.ge [sflag:s31], $0x80  }
0x73: {  	[sflag:s31] =	ssyncset.done $0x0  }
0x74: {  	[sflag:s31] =	ssyncadd.s32 $0xFFFFFF80  }
0x75: {  	_ =	swait.ge [sflag:s29], $0x800  }
0x76: {  	[sflag:s29] =	ssyncset.done $0x0  }
0x77: {  	[sflag:s29] =	ssyncadd.s32 $0xFFFFF800  }
0x78: {  	_ =	swait.ge [sflag:s31], $0x80  }
0x79: {  	[sflag:s31] =	ssyncset.done $0x0  }
0x7a: {  	[sflag:s31] =	ssyncadd.s32 $0xFFFFFF80  }
0x7b: {  	_ =	swait.ge [sflag:s29], $0x800  }
0x7c: {  	[sflag:s29] =	ssyncset.done $0x0  }
0x7d: {  	[sflag:s29] =	ssyncadd.s32 $0xFFFFF800  }
0x7e: {  	_ =	swait.ge [sflag:s31], $0x80  }
0x7f: {  	[sflag:s31] =	ssyncset.done $0x0  }
0x80: {  	[sflag:s31] =	ssyncadd.s32 $0xFFFFFF80  }
0x81: {  	_ =	swait.ge [sflag:s29], $0x800  }
0x82: {  	[sflag:s29] =	ssyncset.done $0x0  }
0x83: {  	[sflag:s29] =	ssyncadd.s32 $0xFFFFF800  }
0x84: {  	_ =	swait.ge [sflag:s31], $0x80  }
0x85: {  	[sflag:s31] =	ssyncset.done $0x0  }
0x86: {  	[sflag:s31] =	ssyncadd.s32 $0xFFFFFF80  }
0x87: {  	_ =	swait.ge [sflag:s29], $0x800  }
0x88: {  	[sflag:s29] =	ssyncset.done $0x0  }
0x89: {  	[sflag:s29] =	ssyncadd.s32 $0xFFFFF800  }
0x8a: {  	_ =	swait.ge [sflag:s31], $0x80  }
0x8b: {  	[sflag:s31] =	ssyncset.done $0x0  }
0x8c: {  	[sflag:s31] =	ssyncadd.s32 $0xFFFFFF80  }
0x8d: {  	_ =	swait.ge [sflag:s29], $0x800  }
0x8e: {  	[sflag:s29] =	ssyncset.done $0x0  }
0x8f: {  	[sflag:s29] =	ssyncadd.s32 $0xFFFFF800  }
0x90: {  	_ =	swait.ge [sflag:s31], $0x80  }
0x91: {  	[sflag:s31] =	ssyncset.done $0x0  }
0x92: {  	[sflag:s31] =	ssyncadd.s32 $0xFFFFFF80  }
0x93: {  	_ =	swait.ge [sflag:s29], $0x800  }
0x94: {  	[sflag:s29] =	ssyncset.done $0x0  }
0x95: {  	[sflag:s29] =	ssyncadd.s32 $0xFFFFF800  }
0x96: {  	_ =	swait.ge [sflag:s31], $0x80  }
0x97: {  	[sflag:s31] =	ssyncset.done $0x0  }
0x98: {  	s21 =	simm.s32 $0x750;
	[sflag:s31] =	ssyncadd.s32 $0xFFFFFF80  }
0x99: {  	v0 =	vld [tilespmem:s21+$0xFFFFFF30]  }
0x9a: {  	v1 =	vld [tilespmem:s21+$0xFFFFFF40];
	_ =	sdelay $0x1  }
0x9b: {  	v2 =	vld [tilespmem:s21+$0xFFFFFF50];
	_ =	sdelay $0x1  }
0x9c: {  	v3 =	vld [tilespmem:s21+$0xFFFFFF60]  }
0x9d: {  	v4 =	vmul.f32 v0, v0;
	v0 =	vadd.f32 v1, v0;
	v1 =	vmul.f32 v1, v1  }
0x9e: {  	v5 =	vld [tilespmem:s21+$0xFFFFFF70]  }
0x9f: {  	v1 =	vadd.f32 v1, v4;
	v0 =	vadd.f32 v2, v0;
	v2 =	vmul.f32 v2, v2  }
0xa0: {  	v50 =	vld [tilespmem:s21+$0xFFFFFF80]  }
0xa1: {  	v1 =	vadd.f32 v2, v1;
	v0 =	vadd.f32 v3, v0;
	v2 =	vmul.f32 v3, v3  }
0xa2: {  	v3 =	vld [tilespmem:s21+$0xFFFFFF90]  }
0xa3: {  	v1 =	vadd.f32 v2, v1;
	v0 =	vadd.f32 v5, v0;
	v2 =	vmul.f32 v5, v5  }
0xa4: {  	v51 =	vld [tilespmem:s21+$0xFFFFFFA0]  }
0xa5: {  	v1 =	vadd.f32 v2, v1;
	v0 =	vadd.f32 v50, v0;
	v2 =	vmul.f32 v50, v50  }
0xa6: {  	v52 =	vld [tilespmem:s21+$0xFFFFFFB0]  }
0xa7: {  	v1 =	vadd.f32 v2, v1;
	v0 =	vadd.f32 v3, v0;
	v2 =	vmul.f32 v3, v3  }
0xa8: {  	v3 =	vld [tilespmem:s21+$0xFFFFFFC0]  }
0xa9: {  	v1 =	vadd.f32 v2, v1;
	v0 =	vadd.f32 v51, v0;
	v2 =	vmul.f32 v51, v51  }
0xaa: {  	v53 =	vld [tilespmem:s21+$0xFFFFFFD0]  }
0xab: {  	v1 =	vadd.f32 v2, v1;
	v0 =	vadd.f32 v52, v0;
	v2 =	vmul.f32 v52, v52  }
0xac: {  	v54 =	vld [tilespmem:s21+$0xFFFFFFE0]  }
0xad: {  	v1 =	vadd.f32 v2, v1;
	v0 =	vadd.f32 v3, v0;
	v2 =	vmul.f32 v3, v3  }
0xae: {  	v3 =	vld [tilespmem:s21+$0xFFFFFFF0]  }
0xaf: {  	v1 =	vadd.f32 v2, v1;
	v0 =	vadd.f32 v53, v0;
	v2 =	vmul.f32 v53, v53  }
0xb0: {  	v55 =	vld [tilespmem:s21+$0x0]  }
0xb1: {  	v1 =	vadd.f32 v2, v1;
	v0 =	vadd.f32 v54, v0;
	v2 =	vmul.f32 v54, v54  }
0xb2: {  	v56 =	vld [tilespmem:s21+$0x10]  }
0xb3: {  	v1 =	vadd.f32 v2, v1;
	v0 =	vadd.f32 v3, v0;
	v2 =	vmul.f32 v3, v3  }
0xb4: {  	v3 =	vld [tilespmem:s21+$0x20]  }
0xb5: {  	v1 =	vadd.f32 v2, v1;
	v0 =	vadd.f32 v55, v0;
	v2 =	vmul.f32 v55, v55  }
0xb6: {  	v57 =	vld [tilespmem:s21+$0x30]  }
0xb7: {  	v1 =	vadd.f32 v2, v1;
	v0 =	vadd.f32 v56, v0;
	v2 =	vmul.f32 v56, v56  }
0xb8: {  	v58 =	vld [tilespmem:s21+$0x40]  }
0xb9: {  	v1 =	vadd.f32 v2, v1;
	v0 =	vadd.f32 v3, v0;
	v2 =	vmul.f32 v3, v3  }
0xba: {  	v3 =	vld [tilespmem:s21+$0x50]  }
0xbb: {  	v1 =	vadd.f32 v2, v1;
	v0 =	vadd.f32 v57, v0;
	v2 =	vmul.f32 v57, v57  }
0xbc: {  	v59 =	vld [tilespmem:s21+$0x60]  }
0xbd: {  	v1 =	vadd.f32 v2, v1;
	v0 =	vadd.f32 v58, v0;
	v2 =	vmul.f32 v58, v58  }
0xbe: {  	v60 =	vld [tilespmem:s21+$0x70]  }
0xbf: {  	v1 =	vadd.f32 v2, v1;
	v0 =	vadd.f32 v3, v0;
	v2 =	vmul.f32 v3, v3  }
0xc0: {  	v3 =	vld [tilespmem:s21+$0x80]  }
0xc1: {  	v1 =	vadd.f32 v2, v1;
	v0 =	vadd.f32 v59, v0;
	v2 =	vmul.f32 v59, v59  }
0xc2: {  	v61 =	vld [tilespmem:s21+$0x90]  }
0xc3: {  	v1 =	vadd.f32 v2, v1;
	v0 =	vadd.f32 v60, v0;
	v2 =	vmul.f32 v60, v60  }
0xc4: {  	v62 =	vld [tilespmem:s21+$0xA0]  }
0xc5: {  	v1 =	vadd.f32 v2, v1;
	v0 =	vadd.f32 v3, v0;
	v2 =	vmul.f32 v3, v3  }
0xc6: {  	v3 =	vld [tilespmem:s21+$0xB0]  }
0xc7: {  	v1 =	vadd.f32 v2, v1;
	v0 =	vadd.f32 v61, v0;
	v2 =	vmul.f32 v61, v61  }
0xc8: {  	v63 =	vld [tilespmem:s21+$0xC0]  }
0xc9: {  	v1 =	vadd.f32 v2, v1;
	v0 =	vadd.f32 v62, v0;
	v2 =	vmul.f32 v62, v62;
	_ =	sdelay $0x1  }
0xca: {  	v1 =	vadd.f32 v2, v1;
	v0 =	vadd.f32 v3, v0;
	v2 =	vmul.f32 v3, v3;
	_ =	sdelay $0x1  }
0xcb: {  	v1 =	vadd.f32 v2, v1;
	v0 =	vadd.f32 v63, v0;
	v2 =	vmul.f32 v63, v63  }
0xcc: {  	s22 =	simm.s32 $0x10;
	s16 =	simm.s32 $0x0  }
0xcd: {  	s13 =	sand.u32 $0xFF8, s22;
	s16 =	sand.u32 $0x6, s16;
	v1 =	vadd.f32 v2, v1;
	v0 =	vmul.f32 v0, v0  }
0xce: {  	s13 =	sor.u32 s16, s13;
	v2 =	vld [tilespmem:s12+$0x0]  }
0xcf: {  	v3 =	vld [tilespmem:s13+$0x6E80];
	v0 =	vsub.f32 v0, v1;
	_ =	sdelay $0x1  }
0xd0: {  	v0 =	vmul.f32 $5.000000000e-01, v0;
	_ =	sdelay $0x1  }
0xd1: {  	v0 =	vadd.f32 v0, v2  }
0xd2: {  	v1 =	vnsel vm0, $0x0, v3  }
0xd3: {  	v0 =	vadd.f32 v0, v1  }
0xd4: {  	s13 =	simm.s32 $0x7510  }
0xd5: {  	s18 =	simm.s32 $0x8F0;
	[tilespmem:s13+$0x0] =	vst v0  }
0xd6: {  	v0 =	vld [tilespmem:s18+$0xFFFFFF30]  }
0xd7: {  	s16 =	simm.s32 $0x2A;
	s21 =	simm.s32 $0x44;
	v1 =	vld [tilespmem:s18+$0xFFFFFF40]  }
.LBB2_3:
0xd8: {  	p0 =	sne.s32 s21, $0x676  }
0xd9: {  	v2 =	vld [tilespmem:s18+$0xFFFFFF50];
	_ =	sdelay $0x1  }
0xda: {  	v3 =	vld [tilespmem:s18+$0xFFFFFF60]  }
0xdb: {  	v4 =	vmul.f32 v0, v0;
	v0 =	vadd.f32 v1, v0;
	v1 =	vmul.f32 v1, v1  }
0xdc: {  	v5 =	vld [tilespmem:s18+$0xFFFFFF70]  }
0xdd: {  	v1 =	vadd.f32 v1, v4;
	v0 =	vadd.f32 v2, v0;
	v2 =	vmul.f32 v2, v2  }
0xde: {  	v4 =	vld [tilespmem:s18+$0xFFFFFF80]  }
0xdf: {  	v1 =	vadd.f32 v2, v1;
	v0 =	vadd.f32 v3, v0;
	v2 =	vmul.f32 v3, v3  }
0xe0: {  	v3 =	vld [tilespmem:s18+$0xFFFFFF90]  }
0xe1: {  	v1 =	vadd.f32 v2, v1;
	v0 =	vadd.f32 v5, v0;
	v2 =	vmul.f32 v5, v5  }
0xe2: {  	v5 =	vld [tilespmem:s18+$0xFFFFFFA0]  }
0xe3: {  	v1 =	vadd.f32 v2, v1;
	v0 =	vadd.f32 v4, v0;
	v2 =	vmul.f32 v4, v4  }
0xe4: {  	v4 =	vld [tilespmem:s18+$0xFFFFFFB0]  }
0xe5: {  	v1 =	vadd.f32 v2, v1;
	v0 =	vadd.f32 v3, v0;
	v2 =	vmul.f32 v3, v3  }
0xe6: {  	v3 =	vld [tilespmem:s18+$0xFFFFFFC0]  }
0xe7: {  	v1 =	vadd.f32 v2, v1;
	v0 =	vadd.f32 v5, v0;
	v2 =	vmul.f32 v5, v5  }
0xe8: {  	v5 =	vld [tilespmem:s18+$0xFFFFFFD0]  }
0xe9: {  	v1 =	vadd.f32 v2, v1;
	v0 =	vadd.f32 v4, v0;
	v2 =	vmul.f32 v4, v4  }
0xea: {  	v4 =	vld [tilespmem:s18+$0xFFFFFFE0]  }
0xeb: {  	v1 =	vadd.f32 v2, v1;
	v0 =	vadd.f32 v3, v0;
	v2 =	vmul.f32 v3, v3  }
0xec: {  	v3 =	vld [tilespmem:s18+$0xFFFFFFF0]  }
0xed: {  	v1 =	vadd.f32 v2, v1;
	v0 =	vadd.f32 v5, v0;
	v2 =	vmul.f32 v5, v5  }
0xee: {  	v5 =	vld [tilespmem:s18+$0x0]  }
0xef: {  	v1 =	vadd.f32 v2, v1;
	v0 =	vadd.f32 v4, v0;
	v2 =	vmul.f32 v4, v4  }
0xf0: {  	v4 =	vld [tilespmem:s18+$0x10]  }
0xf1: {  	v1 =	vadd.f32 v2, v1;
	v0 =	vadd.f32 v3, v0;
	v2 =	vmul.f32 v3, v3  }
0xf2: {  	v3 =	vld [tilespmem:s18+$0x20]  }
0xf3: {  	v1 =	vadd.f32 v2, v1;
	v0 =	vadd.f32 v5, v0;
	v2 =	vmul.f32 v5, v5  }
0xf4: {  	v5 =	vld [tilespmem:s18+$0x30]  }
0xf5: {  	v1 =	vadd.f32 v2, v1;
	v0 =	vadd.f32 v4, v0;
	v2 =	vmul.f32 v4, v4  }
0xf6: {  	v4 =	vld [tilespmem:s18+$0x40]  }
0xf7: {  	v1 =	vadd.f32 v2, v1;
	v0 =	vadd.f32 v3, v0;
	v2 =	vmul.f32 v3, v3  }
0xf8: {  	v3 =	vld [tilespmem:s18+$0x50]  }
0xf9: {  	v1 =	vadd.f32 v2, v1;
	v0 =	vadd.f32 v5, v0;
	v2 =	vmul.f32 v5, v5  }
0xfa: {  	v5 =	vld [tilespmem:s18+$0x60]  }
0xfb: {  	v1 =	vadd.f32 v2, v1;
	v0 =	vadd.f32 v4, v0;
	v2 =	vmul.f32 v4, v4  }
0xfc: {  	v4 =	vld [tilespmem:s18+$0x70]  }
0xfd: {  	v1 =	vadd.f32 v2, v1;
	v0 =	vadd.f32 v3, v0;
	v2 =	vmul.f32 v3, v3  }
0xfe: {  	v3 =	vld [tilespmem:s18+$0x80]  }
0xff: {  	v1 =	vadd.f32 v2, v1;
	v0 =	vadd.f32 v5, v0;
	v2 =	vmul.f32 v5, v5  }
0x100: {  	v5 =	vld [tilespmem:s18+$0x90]  }
0x101: {  	v1 =	vadd.f32 v2, v1;
	v0 =	vadd.f32 v4, v0;
	v2 =	vmul.f32 v4, v4  }
0x102: {  	v4 =	vld [tilespmem:s18+$0xA0]  }
0x103: {  	v1 =	vadd.f32 v2, v1;
	v0 =	vadd.f32 v3, v0;
	v2 =	vmul.f32 v3, v3  }
0x104: {  	v3 =	vld [tilespmem:s18+$0xB0]  }
0x105: {  	v1 =	vadd.f32 v2, v1;
	v0 =	vadd.f32 v5, v0;
	v2 =	vmul.f32 v5, v5  }
0x106: {  	v5 =	vld [tilespmem:s18+$0xC0]  }
0x107: {  	v1 =	vadd.f32 v2, v1;
	v0 =	vadd.f32 v4, v0;
	v2 =	vmul.f32 v4, v4;
	_ =	sdelay $0x1  }
0x108: {  	v1 =	vadd.f32 v2, v1;
	v0 =	vadd.f32 v3, v0;
	v2 =	vmul.f32 v3, v3;
	_ =	sdelay $0x1  }
0x109: {  	v1 =	vadd.f32 v2, v1;
	v0 =	vadd.f32 v5, v0;
	v2 =	vmul.f32 v5, v5  }
0x10a: {  	s22 =	sadd.s32 $0xFFFFFFF0, s16  }
0x10b: {  	s16 =	sand.u32 $0xFF8, s16;
	s12 =	sadd.s32 $0x1A, s12;
	s22 =	sand.u32 $0x6, s22;
	v1 =	vadd.f32 v2, v1;
	v0 =	vmul.f32 v0, v0  }
0x10c: {  	s22 =	sor.u32 s22, s16;
	s16 =	smov.u32 s21;
	v2 =	vld [tilespmem:s12+$0x0]  }
0x10d: {  	v3 =	vld [tilespmem:s22+$0x6E80];
	v0 =	vsub.f32 v0, v1;
	_ =	sdelay $0x1  }
0x10e: {  	v0 =	vmul.f32 $5.000000000e-01, v0;
	_ =	sdelay $0x1  }
0x10f: {  	v0 =	vadd.f32 v0, v2  }
0x110: {  	v1 =	vnsel vm0, $0x0, v3  }
.Ltmp0:
0x111: {  	v0 =	vadd.f32 v0, v1;
	(pc) =	sbr.rel @p0 .LBB2_3-.Ltmp0, $4  }
0x112: {  	s13 =	sadd.s32 $0x10, s13  }
0x113: {  	s18 =	sadd.s32 $0x1A0, s18;
	[tilespmem:s13+$0x0] =	vst v0  }
0x114: {  	v0 =	vld [tilespmem:s18+$0xFFFFFF30]  }
0x115: {  	s21 =	sadd.s32 $0x1A, s21;
	v1 =	vld [tilespmem:s18+$0xFFFFFF40]  }
0x116: {  	_ = 	snop  }
0x117: {  	v2 =	vld [tilespmem:s18+$0xFFFFFF50];
	_ =	sdelay $0x1  }
0x118: {  	v3 =	vld [tilespmem:s18+$0xFFFFFF60]  }
0x119: {  	v4 =	vmul.f32 v0, v0;
	v15 =	vadd.f32 v1, v0;
	v16 =	vmul.f32 v1, v1  }
0x11a: {  	v5 =	vld [tilespmem:s18+$0xFFFFFF70]  }
0x11b: {  	v1 =	vadd.f32 v16, v4;
	v0 =	vadd.f32 v2, v15;
	v2 =	vmul.f32 v2, v2  }
0x11c: {  	v17 =	vld [tilespmem:s18+$0xFFFFFF80]  }
0x11d: {  	v18 =	vmul.f32 v3, v3;
	v1 =	vadd.f32 v2, v1;
	v0 =	vadd.f32 v3, v0  }
0x11e: {  	v19 =	vld [tilespmem:s18+$0xFFFFFF90]  }
0x11f: {  	v20 =	vmul.f32 v5, v5;
	v1 =	vadd.f32 v18, v1;
	v0 =	vadd.f32 v5, v0  }
0x120: {  	v21 =	vld [tilespmem:s18+$0xFFFFFFA0]  }
0x121: {  	v22 =	vmul.f32 v17, v17;
	v1 =	vadd.f32 v20, v1;
	v0 =	vadd.f32 v17, v0  }
0x122: {  	v23 =	vld [tilespmem:s18+$0xFFFFFFB0]  }
0x123: {  	v24 =	vmul.f32 v19, v19;
	v1 =	vadd.f32 v22, v1;
	v0 =	vadd.f32 v19, v0  }
0x124: {  	v25 =	vld [tilespmem:s18+$0xFFFFFFC0]  }
0x125: {  	v26 =	vmul.f32 v21, v21;
	v1 =	vadd.f32 v24, v1;
	v0 =	vadd.f32 v21, v0  }
0x126: {  	v27 =	vld [tilespmem:s18+$0xFFFFFFD0]  }
0x127: {  	v28 =	vmul.f32 v23, v23;
	v1 =	vadd.f32 v26, v1;
	v0 =	vadd.f32 v23, v0  }
0x128: {  	v29 =	vld [tilespmem:s18+$0xFFFFFFE0]  }
0x129: {  	v30 =	vmul.f32 v25, v25;
	v1 =	vadd.f32 v28, v1;
	v0 =	vadd.f32 v25, v0  }
0x12a: {  	v31 =	vld [tilespmem:s18+$0xFFFFFFF0]  }
0x12b: {  	v32 =	vmul.f32 v27, v27;
	v1 =	vadd.f32 v30, v1;
	v0 =	vadd.f32 v27, v0  }
0x12c: {  	v33 =	vld [tilespmem:s18+$0x0]  }
0x12d: {  	v34 =	vmul.f32 v29, v29;
	v1 =	vadd.f32 v32, v1;
	v0 =	vadd.f32 v29, v0  }
0x12e: {  	v35 =	vld [tilespmem:s18+$0x10]  }
0x12f: {  	v36 =	vmul.f32 v31, v31;
	v1 =	vadd.f32 v34, v1;
	v0 =	vadd.f32 v31, v0  }
0x130: {  	v37 =	vld [tilespmem:s18+$0x20]  }
0x131: {  	v38 =	vmul.f32 v33, v33;
	v1 =	vadd.f32 v36, v1;
	v0 =	vadd.f32 v33, v0  }
0x132: {  	v39 =	vld [tilespmem:s18+$0x30]  }
0x133: {  	v40 =	vmul.f32 v35, v35;
	v1 =	vadd.f32 v38, v1;
	v0 =	vadd.f32 v35, v0  }
0x134: {  	v41 =	vld [tilespmem:s18+$0x40]  }
0x135: {  	v42 =	vmul.f32 v37, v37;
	v1 =	vadd.f32 v40, v1;
	v0 =	vadd.f32 v37, v0  }
0x136: {  	v43 =	vld [tilespmem:s18+$0x50]  }
0x137: {  	v44 =	vmul.f32 v39, v39;
	v1 =	vadd.f32 v42, v1;
	v0 =	vadd.f32 v39, v0  }
0x138: {  	v45 =	vld [tilespmem:s18+$0x60]  }
0x139: {  	v46 =	vmul.f32 v41, v41;
	v1 =	vadd.f32 v44, v1;
	v0 =	vadd.f32 v41, v0  }
0x13a: {  	v47 =	vld [tilespmem:s18+$0x70]  }
0x13b: {  	v48 =	vmul.f32 v43, v43;
	v1 =	vadd.f32 v46, v1;
	v0 =	vadd.f32 v43, v0  }
0x13c: {  	v49 =	vld [tilespmem:s18+$0x80]  }
0x13d: {  	v50 =	vmul.f32 v45, v45;
	v1 =	vadd.f32 v48, v1;
	v0 =	vadd.f32 v45, v0  }
0x13e: {  	v51 =	vld [tilespmem:s18+$0x90]  }
0x13f: {  	v52 =	vmul.f32 v47, v47;
	v1 =	vadd.f32 v50, v1;
	v0 =	vadd.f32 v47, v0  }
0x140: {  	v53 =	vld [tilespmem:s18+$0xA0]  }
0x141: {  	v54 =	vmul.f32 v49, v49;
	v1 =	vadd.f32 v52, v1;
	v0 =	vadd.f32 v49, v0  }
0x142: {  	v55 =	vld [tilespmem:s18+$0xB0]  }
0x143: {  	v56 =	vmul.f32 v51, v51;
	v1 =	vadd.f32 v54, v1;
	v0 =	vadd.f32 v51, v0  }
0x144: {  	v57 =	vld [tilespmem:s18+$0xC0]  }
0x145: {  	v58 =	vmul.f32 v53, v53;
	v1 =	vadd.f32 v56, v1;
	v0 =	vadd.f32 v53, v0;
	_ =	sdelay $0x1  }
0x146: {  	v59 =	vmul.f32 v55, v55;
	v1 =	vadd.f32 v58, v1;
	v0 =	vadd.f32 v55, v0;
	_ =	sdelay $0x1  }
0x147: {  	v60 =	vmul.f32 v57, v57;
	v1 =	vadd.f32 v59, v1;
	v0 =	vadd.f32 v57, v0  }
0x148: {  	s21 =	sadd.s32 $0xFFFFFFF0, s16  }
0x149: {  	s22 =	sand.u32 $0xFF8, s16;
	s12 =	sadd.s32 $0x1A, s12;
	s18 =	sand.u32 $0x6, s21;
	v1 =	vadd.f32 v60, v1;
	v0 =	vmul.f32 v0, v0  }
0x14a: {  	v61 =	vld [tilespmem:s12+$0x0];
	s21 =	sor.u32 s18, s22  }
0x14b: {  	v62 =	vld [tilespmem:s21+$0x6E80];
	v0 =	vsub.f32 v0, v1;
	_ =	sdelay $0x1  }
0x14c: {  	v0 =	vmul.f32 $5.000000000e-01, v0;
	_ =	sdelay $0x1  }
0x14d: {  	v0 =	vadd.f32 v0, v61  }
0x14e: {  	v63 =	vnsel vm0, $0x0, v62  }
0x14f: {  	s8 =	sadd.s32 $0x1, s8;
	v0 =	vadd.f32 v0, v63  }
0x150: {  	s1 =	sshll.u32 s1, $0x1;
	p0 =	sne.s32 s8, $0x8;
	s22 =	sadd.s32 $0x10, s13  }
.Ltmp1:
0x151: {  	s1 =	sadd.s32 s6, s1;
	[tilespmem:s22+$0x0] =	vst v0;
	(pc) =	sbr.rel @p0 .LBB2_2-.Ltmp1, $4  }
0x152: {  	[hbm4b:s1+s3] =	stream.linear.scatter [tilespmem:s0], [sflag:$0x3], $0x400, $0x38;
	[tilespmem:$0x7910] =	vst v63  }
0x153: {  	_ =	swait.ge [sflag:s9], $0x400  }
0x154: {  	[sflag:s9] =	ssyncset.done $0x0  }
0x155: {  	[sflag:s9] =	ssyncadd.s32 $0xFFFFFC00  }
0x156: {  	s8 =	rddreg [dreg:$0x5]  }
0x157: {  	s1 =	rddreg [dreg:$0x4];
	s8 =	sadd.s32 $0x1, s8  }
0x158: {  	p0 =	sne.s32 s8, s1  }
.Ltmp2:
0x159: {  	_ = 	snop;
	(pc) =	sbr.rel @p0 .LBB2_1-.Ltmp2, $1  }
0x15a: {  	_ =	sdelay $0x3  }
0x15b: {  	_ =	sfence.sel $0x180000  }
0x15c: {  	[bflag:$0x0] =	sbarrier.arrive $0xFFFF  }
0x15d: {  	_ =	strace $0x90000047  }
0x15e: {  	s0 =	stileid.u32;
	[bflag:$0x2] =	sbarrier.arrive $0xFFFF  }
0x15f: {  	p0 =	sne.s32 s0, $0x0;
	s0 =	rddreg [dreg:$0x3]  }
0x160: {  	s0 =	sadd.s32 @!p0 $0x100000, s0  }
0x161: {  	[sflag:s0] =	ssyncadd.tile.s32 @!p0 $0x1;
	_ =	shalt  }
.Lfunc_end2:
_tile_overlayer_lowered:
.L_overlay_start_2:
0x162: {  	(tag) =	ssettag $0x2  }
0x163: {  	s0 =	rddreg [dreg:$0x0];
	s2 =	stileid.u32  }
0x164: {  	s1 =	rddreg [dreg:$0x1];
	p0 =	sne.s32 s2, $0x0  }
0x165: {  	s3 =	rddreg [dreg:$0x2];
	[bflag:$0x3] =	sbarrier.arrive $0xFFFF;
	s2 =	simm.s32 @!p0 $0x1C03  }
0x166: {  	[timem:s3], [sflag:s2] =	dma.local @!p0 [hbm:s0], s1  }
0x167: {  	s0 =	simm.s32 @!p0 $0x3  }
0x168: {  	_ =	swait.ge @!p0 [sflag:s0], s1  }
0x169: {  	s1 =	ssub.s32 @!p0 $0x0, s1;
	[sflag:s0] =	ssyncset.done @!p0 $0x0  }
0x16a: {  	[sflag:s0] =	ssyncadd.s32 @!p0 s1  }
0x16b: {  	[bflag:$0x3] =	sbarrier.arrive $0xFFFF  }
0x16c: {  	_ =	shalt  }

</sc_bundles>
